<compile_context>
chip_gen: v7x
topology: tpu7x:2x2x1
jax: 0.10.2.dev20260603
libtpu: 0.0.44.dev20260713+nightly
codegen_flags: <defaults>
</compile_context>

<pallas_src>
import jax
import jax.numpy as jnp
from jax import lax
from jax.experimental import pallas as pl
from jax.experimental.pallas import tpu as pltpu
from jax.experimental.pallas import tpu_sc as plsc

NC = 2
NS = 16
NW = NC * NS
CH = 80


def _sc_mesh():
    return plsc.VectorSubcoreMesh(core_axis_name="c", subcore_axis_name="s")


def _seg_pipelined(npad, e, mode):
    EW = e // NW
    K = EW // CH
    RT = npad // NS

    def body(*refs):
        i = 0
        if mode == 1:
            tbl = refs[i]; i += 1
        elif mode == 2:
            h_h = refs[i]; t_h = refs[i + 1]; i += 2
        else:
            u_h = refs[i]; i += 1
        src3 = refs[i]; dst3 = refs[i + 1]; zeros_h = refs[i + 2]; i += 3
        outp_h = refs[i]; i += 1
        if mode != 1:
            outs_h = refs[i]; outd_h = refs[i + 1]; i += 2
        sidx2 = refs[i]; didx2 = refs[i + 1]; i += 2
        rows = refs[i]; i += 1
        if mode == 2:
            rowS = refs[i]; i += 1
        if mode != 1:
            rowD = refs[i]; i += 1
        acc = refs[i]; semg = refs[i + 1]

        cid = lax.axis_index("c")
        sid = lax.axis_index("s")
        wid = cid * NS + sid
        base = wid * EW
        sl = pl.ds(sid * RT, RT)
        pltpu.sync_copy(zeros_h.at[sl], acc.at[sl])
        plsc.subcore_barrier()

        def step(k, c):
            e0 = base + k * CH
            pltpu.sync_copy(src3.at[wid, k], sidx2)
            pltpu.sync_copy(dst3.at[wid, k], didx2)
            si = sidx2
            di = didx2
            if mode == 1:
                pltpu.async_copy(tbl.at[si], rows, semg)
                pltpu.make_async_copy(tbl.at[si], rows, semg).wait()
                pltpu.sync_copy(rows, acc.at[di], add=True)
            elif mode == 2:
                pltpu.async_copy(h_h.at[si], rows, semg)
                pltpu.async_copy(t_h.at[si], rowS, semg)
                pltpu.async_copy(t_h.at[di], rowD, semg)
                pltpu.make_async_copy(h_h.at[si], rows, semg).wait()
                pltpu.make_async_copy(t_h.at[si], rowS, semg).wait()
                pltpu.make_async_copy(t_h.at[di], rowD, semg).wait()
                pltpu.sync_copy(rows, acc.at[di], add=True)
                pltpu.sync_copy(rowS, outs_h.at[pl.ds(e0, CH)])
                pltpu.sync_copy(rowD, outd_h.at[pl.ds(e0, CH)])
            else:
                pltpu.async_copy(u_h.at[si], rows, semg)
                pltpu.async_copy(u_h.at[di], rowD, semg)
                pltpu.make_async_copy(u_h.at[si], rows, semg).wait()
                pltpu.make_async_copy(u_h.at[di], rowD, semg).wait()
                pltpu.sync_copy(rows, acc.at[di], add=True)
                pltpu.sync_copy(rows, outs_h.at[pl.ds(e0, CH)])
                pltpu.sync_copy(rowD, outd_h.at[pl.ds(e0, CH)])
            return c
        lax.fori_loop(0, K, step, 0)
        plsc.subcore_barrier()
        pltpu.sync_copy(acc.at[pl.ds(sid * RT, RT)],
                        outp_h.at[pl.ds(cid * npad + sid * RT, RT)])

    out_type = [jax.ShapeDtypeStruct((NC * npad, 128), jnp.float32)]
    if mode != 1:
        out_type.append(jax.ShapeDtypeStruct((e, 128), jnp.float32))
        out_type.append(jax.ShapeDtypeStruct((e, 128), jnp.float32))
    scratch = [pltpu.VMEM((CH,), jnp.int32), pltpu.VMEM((CH,), jnp.int32),
               pltpu.VMEM((CH, 128), jnp.float32)]
    if mode == 2:
        scratch.append(pltpu.VMEM((CH, 128), jnp.float32))
    if mode != 1:
        scratch.append(pltpu.VMEM((CH, 128), jnp.float32))
    scratch += [pltpu.VMEM_SHARED((npad, 128), jnp.float32),
                pltpu.SemaphoreType.DMA]
    return pl.kernel(body, out_type=tuple(out_type), mesh=_sc_mesh(),
                     scratch_types=tuple(scratch))


def _stage4(npad, e):
    EW = e // NW
    K = EW // CH

    def body(a3_h, b3_h, src_h, dst_h, out_h, ta, tb, sidx, didx, ob, sem):
        cid = lax.axis_index("c")
        sid = lax.axis_index("s")
        base = (cid * NS + sid) * EW
        pltpu.sync_copy(a3_h, ta)
        pltpu.sync_copy(b3_h, tb)

        def step(k, c):
            e0 = base + k * CH
            pltpu.sync_copy(src_h.at[pl.ds(e0, CH)], sidx)
            pltpu.sync_copy(dst_h.at[pl.ds(e0, CH)], didx)
            for j in range(CH // 16):
                ii = sidx[pl.ds(j * 16, 16)]
                jj = didx[pl.ds(j * 16, 16)]
                va = plsc.load_gather(ta, [ii])
                vb = plsc.load_gather(tb, [jj])
                ob[pl.ds(j * 16, 16)] = va + vb
            pltpu.sync_copy(ob, out_h.at[pl.ds(e0, CH)])
            return c
        lax.fori_loop(0, K, step, 0)

    return pl.kernel(
        body,
        out_type=(jax.ShapeDtypeStruct((e,), jnp.float32),),
        mesh=_sc_mesh(),
        compiler_params=pltpu.CompilerParams(needs_layout_passes=False),
        scratch_types=(pltpu.VMEM((npad,), jnp.float32),
                       pltpu.VMEM((npad,), jnp.float32),
                       pltpu.VMEM((CH,), jnp.int32),
                       pltpu.VMEM((CH,), jnp.int32),
                       pltpu.VMEM((CH,), jnp.float32),
                       pltpu.SemaphoreType.DMA))


def _edge_kernel(gs2_ref, gd2_ref, gs3_ref, gd3_ref, g3_ref, bc1_ref,
                 wg1_ref, bg1_ref, bc2_ref, wg2_ref, scal_ref, out_ref):
    c1 = jnp.maximum(gs2_ref[:, :64] + gd2_ref[:, 64:] + bc1_ref[...], 0.0)
    t1 = jnp.dot(c1, wg1_ref[...],
                 preferred_element_type=jnp.float32) + bg1_ref[...]
    c2 = jnp.maximum(gs3_ref[:, 64:96] + gd3_ref[:, 96:128] + bc2_ref[...],
                     0.0)
    g1 = jax.nn.sigmoid(t1 + c2)
    r = jnp.sum(g1 * wg2_ref[...], axis=1, keepdims=True)
    c3 = jnp.maximum(g3_ref[...] + scal_ref[0, 0], 0.0)
    out_ref[...] = jax.nn.sigmoid(r + scal_ref[0, 1] + c3)


def _edge_stage(gs2, gd2, gs3, gd3, g3, bc1, wg1, bg1, bc2, wg2, bc3, bg2):
    e = gs2.shape[0]
    BE = 3200
    scal = jnp.stack([bc3[0], bg2[0]]).reshape(1, 2)
    return pl.pallas_call(
        _edge_kernel,
        grid=(e // BE,),
        in_specs=[
            pl.BlockSpec((BE, 128), lambda i: (i, 0)),
            pl.BlockSpec((BE, 128), lambda i: (i, 0)),
            pl.BlockSpec((BE, 128), lambda i: (i, 0)),
            pl.BlockSpec((BE, 128), lambda i: (i, 0)),
            pl.BlockSpec((BE, 1), lambda i: (i, 0)),
            pl.BlockSpec((1, 64), lambda i: (0, 0)),
            pl.BlockSpec((64, 32), lambda i: (0, 0)),
            pl.BlockSpec((1, 32), lambda i: (0, 0)),
            pl.BlockSpec((1, 32), lambda i: (0, 0)),
            pl.BlockSpec((1, 32), lambda i: (0, 0)),
            pl.BlockSpec((1, 2), lambda i: (0, 0)),
        ],
        out_specs=pl.BlockSpec((BE, 1), lambda i: (i, 0)),
        out_shape=jax.ShapeDtypeStruct((e, 1), jnp.float32),
    )(gs2, gd2, gs3, gd3, g3, jnp.reshape(bc1, (1, 64)), wg1,
      jnp.reshape(bg1, (1, 32)), jnp.reshape(bc2, (1, 32)),
      jnp.reshape(wg2, (1, 32)), scal)


def kernel(pre_node_embedding, edge_index, W1_self, W1_nbr, b1, Wc1, bc1,
           W2_self, W2_nbr, b2, Wc2, bc2, W3_self, W3_nbr, b3, Wc3, bc3,
           Wg1, bg1, Wg2, bg2):
    x = pre_node_embedding
    n = x.shape[0]
    e = edge_index.shape[1]
    src = jnp.asarray(edge_index[0])
    dst = jnp.asarray(edge_index[1])
    npad = ((n + NS * 8 - 1) // (NS * 8)) * (NS * 8)
    xp = jnp.pad(x, ((0, npad - n), (0, 0)))
    z128 = jnp.zeros((npad, 128), jnp.float32)

    K = e // NW // CH
    src3 = jnp.reshape(src, (NW, K, CH))
    dst3 = jnp.reshape(dst, (NW, K, CH))

    p1 = _seg_pipelined(npad, e, 1)(xp, src3, dst3, z128)[0]
    agg1 = p1[:npad] + p1[npad:]

    h1 = jax.nn.relu(xp @ W1_self + agg1 @ W1_nbr + b1)
    T2 = jnp.concatenate([h1 @ Wc1[:128], h1 @ Wc1[128:]], axis=1)
    self2 = h1 @ W2_self

    p2, gS2, gD2 = _seg_pipelined(npad, e, 2)(h1, T2, src3, dst3, z128)
    agg2 = (p2[:npad] + p2[npad:]) @ W2_nbr

    h2 = jax.nn.relu(self2 + agg2 + b2)
    U3 = jnp.concatenate([h2, h2 @ Wc2[:64], h2 @ Wc2[64:]], axis=1)
    self3 = h2 @ W3_self

    p3, gS3, gD3 = _seg_pipelined(npad, e, 3)(U3, src3, dst3, z128)
    agg3 = (p3[:npad, :64] + p3[npad:, :64]) @ W3_nbr

    h3 = jax.nn.relu(self3 + agg3 + b3)
    A3 = h3 @ Wc3[:32]
    B3 = h3 @ Wc3[32:]

    g3 = _stage4(npad, e)(jnp.reshape(A3, (npad,)), jnp.reshape(B3, (npad,)),
                          src, dst)[0]

    return _edge_stage(gS2, gD2, gS3, gD3, jnp.reshape(g3, (e, 1)),
                       bc1, Wg1, bg1, bc2, Wg2, bc3, bg2)

# --- scband reference (transcript-rebuilt; emitter-appended) ---
"""Pipeline reference for scband-conduit-gnn-9852654977700 (READ-ONLY COPY).

The authoritative reference and input builder live on the scoring server;
editing this copy changes nothing except your own understanding.
"""

import jax, jax.numpy as jnp
import numpy as np

N = 10000
E = 320000
D_IN = 128
S1 = 128
S2 = 64
S3 = 32

def _glorot(key, shape):
    lim = (6.0 / (shape[0] + shape[1])) ** 0.5
    return jax.random.uniform(key, shape, dtype=jnp.float32, minval=-lim, maxval=lim)

def setup_inputs(seed: int = 0):
    key = jax.random.key(seed)
    ks = jax.random.split(key, 24)
    inp = {}
    inp['pre_node_embedding'] = jax.random.normal(ks[0], (N, D_IN), dtype=jnp.float32)
    inp['edge_index'] = jax.random.randint(ks[1], (2, E), 0, N, dtype=jnp.int32)
    inp['W1_self'] = _glorot(ks[2], (D_IN, S1)); inp['W1_nbr'] = _glorot(ks[3], (D_IN, S1)); inp['b1'] = jnp.zeros((S1,), jnp.float32)
    inp['Wc1'] = _glorot(ks[4], (2 * S1, S2)); inp['bc1'] = jnp.zeros((S2,), jnp.float32)
    inp['W2_self'] = _glorot(ks[5], (S1, S2)); inp['W2_nbr'] = _glorot(ks[6], (S1, S2)); inp['b2'] = jnp.zeros((S2,), jnp.float32)
    inp['Wc2'] = _glorot(ks[7], (2 * S2, S3)); inp['bc2'] = jnp.zeros((S3,), jnp.float32)
    inp['W3_self'] = _glorot(ks[8], (S2, S3)); inp['W3_nbr'] = _glorot(ks[9], (S2, S3)); inp['b3'] = jnp.zeros((S3,), jnp.float32)
    inp['Wc3'] = _glorot(ks[10], (2 * S3, 1)); inp['bc3'] = jnp.zeros((1,), jnp.float32)
    inp['Wg1'] = _glorot(ks[11], (S2, S3)); inp['bg1'] = jnp.zeros((S3,), jnp.float32)
    inp['Wg2'] = _glorot(ks[12], (S3, 1)); inp['bg2'] = jnp.zeros((1,), jnp.float32)
    return inp

def _node_learning(x, src, dst, Ws, Wn, b, n_nodes):
    agg = jnp.zeros((n_nodes, x.shape[1]), x.dtype).at[dst].add(x[src])
    return jax.nn.relu(x @ Ws + agg @ Wn + b)

def _conduit_learning(h, src, dst, W, b):
    e = jnp.concatenate([h[src], h[dst]], axis=-1)
    return jax.nn.relu(e @ W + b)

def reference(pre_node_embedding, edge_index, W1_self, W1_nbr, b1, Wc1, bc1, W2_self, W2_nbr, b2, Wc2, bc2, W3_self, W3_nbr, b3, Wc3, bc3, Wg1, bg1, Wg2, bg2):
    src = edge_index[0]
    dst = edge_index[1]
    n = pre_node_embedding.shape[0]
    h1 = _node_learning(pre_node_embedding, src, dst, W1_self, W1_nbr, b1, n)
    c1 = _conduit_learning(h1, src, dst, Wc1, bc1)
    h2 = _node_learning(h1, src, dst, W2_self, W2_nbr, b2, n)
    c2 = _conduit_learning(h2, src, dst, Wc2, bc2)
    g1 = jax.nn.sigmoid(c1 @ Wg1 + bg1 + c2)
    h3 = _node_learning(h2, src, dst, W3_self, W3_nbr, b3, n)
    c3 = _conduit_learning(h3, src, dst, Wc3, bc3)
    out = jax.nn.sigmoid(g1 @ Wg2 + bg2 + c3)
    return out

if __name__ == "__main__":
    import jax
    _d = setup_inputs()
    print(jax.jit(kernel)(*tuple(_d.values())))

</pallas_src>

<mosaic_0001>
#map = affine_map<(d0, d1) -> (0, 0)>
#map1 = affine_map<(d0, d1) -> (0, 0, 0)>
module attributes {stable_mosaic.version = 14 : i64} {
  func.func @body(%arg0: i32, %arg1: i32, %arg2: memref<10112x128xf32, #tpu.memory_space<hbm>>, %arg3: memref<32x125x80xi32, #tpu.memory_space<hbm>>, %arg4: memref<32x125x80xi32, #tpu.memory_space<hbm>>, %arg5: memref<10112x128xf32, #tpu.memory_space<hbm>>, %arg6: memref<20224x128xf32, #tpu.memory_space<hbm>>, %arg7: memref<80xi32, #tpu.memory_space<vmem>>, %arg8: memref<80xi32, #tpu.memory_space<vmem>>, %arg9: memref<80x128xf32, #tpu.memory_space<vmem>>, %arg10: memref<10112x128xf32, #tpu.memory_space<vmem_shared>>, %arg11: memref<!tpu.dma_semaphore, #tpu.memory_space<semaphore_mem>>) attributes {dimension_semantics = [#tpu.dimension_semantics<core_parallel>, #tpu.dimension_semantics<subcore_parallel>], iteration_bounds = array<i64: 2, 16>, scalar_prefetch = 0 : i64, scratch_operands = 5 : i64, tpu.core_type = #tpu.core_type<sc_vector_subcore>, window_params = [{transform_indices = #map}, {transform_indices = #map1}, {transform_indices = #map1}, {transform_indices = #map}, {transform_indices = #map}]} {
    %mul3A = arith.constant 16 : i32
    %mul3A_0 = arith.muli %arg0, %mul3A : i32
    %add3A = arith.addi %mul3A_0, %arg1 : i32
    %mul3A_1 = arith.constant 10000 : i32
    %mul3A_2 = arith.muli %add3A, %mul3A_1 : i32
    %mul3A_3 = arith.constant 632 : i32
    %mul3A_4 = arith.muli %arg1, %mul3A_3 : i32
    "tpu.region"() ({
      %run_scoped3A = tpu.sem_alloc : memref<!tpu.dma_semaphore, #tpu.memory_space<semaphore_mem>>
      %dma_start3A = arith.constant 0 : i32
      %dma_start3A_18 = tpu.memref_slice %arg10[%mul3A_4, %dma_start3A] : memref<10112x128xf32, #tpu.memory_space<vmem_shared>> -> memref<632x128xf32, #tpu.memory_space<vmem_shared>>
      %dma_start3A_19 = arith.constant 0 : i32
      %dma_start3A_20 = tpu.memref_slice %arg5[%mul3A_4, %dma_start3A_19] : memref<10112x128xf32, #tpu.memory_space<hbm>> -> memref<632x128xf32, #tpu.memory_space<hbm>>
      tpu.enqueue_dma source(%dma_start3A_20 : memref<632x128xf32, #tpu.memory_space<hbm>>) target(%dma_start3A_18 : memref<632x128xf32, #tpu.memory_space<vmem_shared>>) target_semaphore(%run_scoped3A : memref<!tpu.dma_semaphore, #tpu.memory_space<semaphore_mem>>)
      %dma_wait3A = arith.constant 0 : i32
      %dma_wait3A_21 = tpu.memref_slice %arg10[%mul3A_4, %dma_wait3A] : memref<10112x128xf32, #tpu.memory_space<vmem_shared>> -> memref<632x128xf32, #tpu.memory_space<vmem_shared>>
      %dma_wait3A_22 = arith.constant 0 : i32
      %dma_wait3A_23 = tpu.memref_slice %arg5[%mul3A_4, %dma_wait3A_22] : memref<10112x128xf32, #tpu.memory_space<hbm>> -> memref<632x128xf32, #tpu.memory_space<hbm>>
      tpu.wait_dma2 semaphore(%run_scoped3A : memref<!tpu.dma_semaphore, #tpu.memory_space<semaphore_mem>>) src(%dma_wait3A_23 : memref<632x128xf32, #tpu.memory_space<hbm>>) dst(%dma_wait3A_21 : memref<632x128xf32, #tpu.memory_space<vmem_shared>>)
      tpu.yield
    }) : () -> ()
    %barrier3A = arith.constant 0 : index
    tpu.barrier barrier_id(%barrier3A)
    %scan3A = arith.constant 0 : i32
    %scan3A_5 = arith.constant 0 : i32
    %scan3A_6 = arith.constant 125 : i32
    %scan3A_7 = arith.addi %scan3A_5, %scan3A_6 : i32
    %scan3A_8 = arith.constant 1 : i32
    scf.for %scan3A_18 = %scan3A_5 to %scan3A_7 step %scan3A_8  : i32 {
      %mul3A_19 = arith.constant 80 : i32
      %mul3A_20 = arith.muli %scan3A_18, %mul3A_19 : i32
      %add3A_21 = arith.addi %mul3A_2, %mul3A_20 : i32
      "tpu.region"() ({
        %run_scoped3A = tpu.sem_alloc : memref<!tpu.dma_semaphore, #tpu.memory_space<semaphore_mem>>
        %dma_start3A_26 = arith.constant 0 : i32
        %dma_start3A_27 = tpu.memref_slice %arg3[%add3A, %scan3A_18, %dma_start3A_26] : memref<32x125x80xi32, #tpu.memory_space<hbm>> -> memref<1x1x80xi32, #tpu.memory_space<hbm>>
        %dma_start3A_28 = tpu.memref_squeeze %dma_start3A_27 : memref<1x1x80xi32, #tpu.memory_space<hbm>> -> memref<80xi32, #tpu.memory_space<hbm>>
        %dma_start3A_29 = arith.constant 0 : i32
        %dma_start3A_30 = tpu.memref_slice %arg3[%add3A, %scan3A_18, %dma_start3A_29] : memref<32x125x80xi32, #tpu.memory_space<hbm>> -> memref<1x1x80xi32, #tpu.memory_space<hbm>>
        %dma_start3A_31 = tpu.memref_squeeze %dma_start3A_30 : memref<1x1x80xi32, #tpu.memory_space<hbm>> -> memref<80xi32, #tpu.memory_space<hbm>>
        tpu.enqueue_dma source(%dma_start3A_31 : memref<80xi32, #tpu.memory_space<hbm>>) target(%arg7 : memref<80xi32, #tpu.memory_space<vmem>>) target_semaphore(%run_scoped3A : memref<!tpu.dma_semaphore, #tpu.memory_space<semaphore_mem>>)
        %dma_wait3A_32 = arith.constant 0 : i32
        %dma_wait3A_33 = tpu.memref_slice %arg3[%add3A, %scan3A_18, %dma_wait3A_32] : memref<32x125x80xi32, #tpu.memory_space<hbm>> -> memref<1x1x80xi32, #tpu.memory_space<hbm>>
        %dma_wait3A_34 = tpu.memref_squeeze %dma_wait3A_33 : memref<1x1x80xi32, #tpu.memory_space<hbm>> -> memref<80xi32, #tpu.memory_space<hbm>>
        %dma_wait3A_35 = arith.constant 0 : i32
        %dma_wait3A_36 = tpu.memref_slice %arg3[%add3A, %scan3A_18, %dma_wait3A_35] : memref<32x125x80xi32, #tpu.memory_space<hbm>> -> memref<1x1x80xi32, #tpu.memory_space<hbm>>
        %dma_wait3A_37 = tpu.memref_squeeze %dma_wait3A_36 : memref<1x1x80xi32, #tpu.memory_space<hbm>> -> memref<80xi32, #tpu.memory_space<hbm>>
        tpu.wait_dma2 semaphore(%run_scoped3A : memref<!tpu.dma_semaphore, #tpu.memory_space<semaphore_mem>>) src(%dma_wait3A_37 : memref<80xi32, #tpu.memory_space<hbm>>) dst(%arg7 : memref<80xi32, #tpu.memory_space<vmem>>)
        tpu.yield
      }) : () -> ()
      "tpu.region"() ({
        %run_scoped3A = tpu.sem_alloc : memref<!tpu.dma_semaphore, #tpu.memory_space<semaphore_mem>>
        %dma_start3A_26 = arith.constant 0 : i32
        %dma_start3A_27 = tpu.memref_slice %arg4[%add3A, %scan3A_18, %dma_start3A_26] : memref<32x125x80xi32, #tpu.memory_space<hbm>> -> memref<1x1x80xi32, #tpu.memory_space<hbm>>
        %dma_start3A_28 = tpu.memref_squeeze %dma_start3A_27 : memref<1x1x80xi32, #tpu.memory_space<hbm>> -> memref<80xi32, #tpu.memory_space<hbm>>
        %dma_start3A_29 = arith.constant 0 : i32
        %dma_start3A_30 = tpu.memref_slice %arg4[%add3A, %scan3A_18, %dma_start3A_29] : memref<32x125x80xi32, #tpu.memory_space<hbm>> -> memref<1x1x80xi32, #tpu.memory_space<hbm>>
        %dma_start3A_31 = tpu.memref_squeeze %dma_start3A_30 : memref<1x1x80xi32, #tpu.memory_space<hbm>> -> memref<80xi32, #tpu.memory_space<hbm>>
        tpu.enqueue_dma source(%dma_start3A_31 : memref<80xi32, #tpu.memory_space<hbm>>) target(%arg8 : memref<80xi32, #tpu.memory_space<vmem>>) target_semaphore(%run_scoped3A : memref<!tpu.dma_semaphore, #tpu.memory_space<semaphore_mem>>)
        %dma_wait3A_32 = arith.constant 0 : i32
        %dma_wait3A_33 = tpu.memref_slice %arg4[%add3A, %scan3A_18, %dma_wait3A_32] : memref<32x125x80xi32, #tpu.memory_space<hbm>> -> memref<1x1x80xi32, #tpu.memory_space<hbm>>
        %dma_wait3A_34 = tpu.memref_squeeze %dma_wait3A_33 : memref<1x1x80xi32, #tpu.memory_space<hbm>> -> memref<80xi32, #tpu.memory_space<hbm>>
        %dma_wait3A_35 = arith.constant 0 : i32
        %dma_wait3A_36 = tpu.memref_slice %arg4[%add3A, %scan3A_18, %dma_wait3A_35] : memref<32x125x80xi32, #tpu.memory_space<hbm>> -> memref<1x1x80xi32, #tpu.memory_space<hbm>>
        %dma_wait3A_37 = tpu.memref_squeeze %dma_wait3A_36 : memref<1x1x80xi32, #tpu.memory_space<hbm>> -> memref<80xi32, #tpu.memory_space<hbm>>
        tpu.wait_dma2 semaphore(%run_scoped3A : memref<!tpu.dma_semaphore, #tpu.memory_space<semaphore_mem>>) src(%dma_wait3A_37 : memref<80xi32, #tpu.memory_space<hbm>>) dst(%arg8 : memref<80xi32, #tpu.memory_space<vmem>>)
        tpu.yield
      }) : () -> ()
      %dma_start3A = arith.constant 0 : i32
      %dma_start3A_22 = arith.constant 0 : i32
      %dma_start3A_23 = tpu.memref_slice %arg2[%dma_start3A, %dma_start3A_22] : memref<10112x128xf32, #tpu.memory_space<hbm>> -> memref<10112x128xf32, #tpu.memory_space<hbm>>
      tpu.enqueue_indirect_dma source(%dma_start3A_23 : memref<10112x128xf32, #tpu.memory_space<hbm>>) target(%arg9 : memref<80x128xf32, #tpu.memory_space<vmem>>) offsets(%arg7 : memref<80xi32, #tpu.memory_space<vmem>>) semaphore(%arg11 : memref<!tpu.dma_semaphore, #tpu.memory_space<semaphore_mem>>)
      %dma_wait3A = arith.constant 0 : i32
      %dma_wait3A_24 = arith.constant 0 : i32
      %dma_wait3A_25 = tpu.memref_slice %arg2[%dma_wait3A, %dma_wait3A_24] : memref<10112x128xf32, #tpu.memory_space<hbm>> -> memref<10112x128xf32, #tpu.memory_space<hbm>>
      tpu.wait_indirect_dma semaphore(%arg11 : memref<!tpu.dma_semaphore, #tpu.memory_space<semaphore_mem>>) src(%dma_wait3A_25 : memref<10112x128xf32, #tpu.memory_space<hbm>>) dst(%arg9 : memref<80x128xf32, #tpu.memory_space<vmem>>)
      "tpu.region"() ({
        %run_scoped3A = tpu.sem_alloc : memref<!tpu.dma_semaphore, #tpu.memory_space<semaphore_mem>>
        %dma_start3A_26 = arith.constant 0 : i32
        %dma_start3A_27 = arith.constant 0 : i32
        %dma_start3A_28 = tpu.memref_slice %arg10[%dma_start3A_26, %dma_start3A_27] : memref<10112x128xf32, #tpu.memory_space<vmem_shared>> -> memref<10112x128xf32, #tpu.memory_space<vmem_shared>>
        tpu.enqueue_indirect_dma source(%arg9 : memref<80x128xf32, #tpu.memory_space<vmem>>) target(%dma_start3A_28 : memref<10112x128xf32, #tpu.memory_space<vmem_shared>>) offsets(%arg8 : memref<80xi32, #tpu.memory_space<vmem>>) semaphore(%run_scoped3A : memref<!tpu.dma_semaphore, #tpu.memory_space<semaphore_mem>>) {add = true}
        %dma_wait3A_29 = arith.constant 0 : i32
        %dma_wait3A_30 = arith.constant 0 : i32
        %dma_wait3A_31 = tpu.memref_slice %arg10[%dma_wait3A_29, %dma_wait3A_30] : memref<10112x128xf32, #tpu.memory_space<vmem_shared>> -> memref<10112x128xf32, #tpu.memory_space<vmem_shared>>
        tpu.wait_indirect_dma semaphore(%run_scoped3A : memref<!tpu.dma_semaphore, #tpu.memory_space<semaphore_mem>>) src(%arg9 : memref<80x128xf32, #tpu.memory_space<vmem>>) dst(%dma_wait3A_31 : memref<10112x128xf32, #tpu.memory_space<vmem_shared>>)
        tpu.yield
      }) : () -> ()
    }
    %scan3A_9 = arith.constant 125 : i32
    %barrier3A_10 = arith.constant 0 : index
    tpu.barrier barrier_id(%barrier3A_10)
    %mul3A_11 = arith.constant 632 : i32
    %mul3A_12 = arith.muli %arg1, %mul3A_11 : i32
    %mul3A_13 = arith.constant 10112 : i32
    %mul3A_14 = arith.muli %arg0, %mul3A_13 : i32
    %mul3A_15 = arith.constant 632 : i32
    %mul3A_16 = arith.muli %arg1, %mul3A_15 : i32
    %add3A_17 = arith.addi %mul3A_14, %mul3A_16 : i32
    "tpu.region"() ({
      %run_scoped3A = tpu.sem_alloc : memref<!tpu.dma_semaphore, #tpu.memory_space<semaphore_mem>>
      %dma_start3A = arith.constant 0 : i32
      %dma_start3A_18 = tpu.memref_slice %arg6[%add3A_17, %dma_start3A] : memref<20224x128xf32, #tpu.memory_space<hbm>> -> memref<632x128xf32, #tpu.memory_space<hbm>>
      %dma_start3A_19 = arith.constant 0 : i32
      %dma_start3A_20 = tpu.memref_slice %arg10[%mul3A_12, %dma_start3A_19] : memref<10112x128xf32, #tpu.memory_space<vmem_shared>> -> memref<632x128xf32, #tpu.memory_space<vmem_shared>>
      tpu.enqueue_dma source(%dma_start3A_20 : memref<632x128xf32, #tpu.memory_space<vmem_shared>>) target(%dma_start3A_18 : memref<632x128xf32, #tpu.memory_space<hbm>>) target_semaphore(%run_scoped3A : memref<!tpu.dma_semaphore, #tpu.memory_space<semaphore_mem>>)
      %dma_wait3A = arith.constant 0 : i32
      %dma_wait3A_21 = tpu.memref_slice %arg6[%add3A_17, %dma_wait3A] : memref<20224x128xf32, #tpu.memory_space<hbm>> -> memref<632x128xf32, #tpu.memory_space<hbm>>
      %dma_wait3A_22 = arith.constant 0 : i32
      %dma_wait3A_23 = tpu.memref_slice %arg10[%mul3A_12, %dma_wait3A_22] : memref<10112x128xf32, #tpu.memory_space<vmem_shared>> -> memref<632x128xf32, #tpu.memory_space<vmem_shared>>
      tpu.wait_dma2 semaphore(%run_scoped3A : memref<!tpu.dma_semaphore, #tpu.memory_space<semaphore_mem>>) src(%dma_wait3A_23 : memref<632x128xf32, #tpu.memory_space<vmem_shared>>) dst(%dma_wait3A_21 : memref<632x128xf32, #tpu.memory_space<hbm>>)
      tpu.yield
    }) : () -> ()
    return
  }
}

#map = affine_map<(d0, d1) -> (0)>
module attributes {stable_mosaic.version = 14 : i64} {
  func.func @body(%arg0: i32, %arg1: i32, %arg2: memref<10112xf32, #tpu.memory_space<hbm>>, %arg3: memref<10112xf32, #tpu.memory_space<hbm>>, %arg4: memref<320000xi32, #tpu.memory_space<hbm>>, %arg5: memref<320000xi32, #tpu.memory_space<hbm>>, %arg6: memref<320000xf32, #tpu.memory_space<hbm>>, %arg7: memref<10112xf32, #tpu.memory_space<vmem>>, %arg8: memref<10112xf32, #tpu.memory_space<vmem>>, %arg9: memref<80xi32, #tpu.memory_space<vmem>>, %arg10: memref<80xi32, #tpu.memory_space<vmem>>, %arg11: memref<80xf32, #tpu.memory_space<vmem>>, %arg12: memref<!tpu.dma_semaphore, #tpu.memory_space<semaphore_mem>>) attributes {dimension_semantics = [#tpu.dimension_semantics<core_parallel>, #tpu.dimension_semantics<subcore_parallel>], iteration_bounds = array<i64: 2, 16>, scalar_prefetch = 0 : i64, scratch_operands = 6 : i64, tpu.core_type = #tpu.core_type<sc_vector_subcore>, window_params = [{transform_indices = #map}, {transform_indices = #map}, {transform_indices = #map}, {transform_indices = #map}, {transform_indices = #map}]} {
    %mul3A = arith.constant 16 : i32
    %mul3A_0 = arith.muli %arg0, %mul3A : i32
    %add3A = arith.addi %mul3A_0, %arg1 : i32
    %mul3A_1 = arith.constant 10000 : i32
    %mul3A_2 = arith.muli %add3A, %mul3A_1 : i32
    "tpu.region"() ({
      %run_scoped3A = tpu.sem_alloc : memref<!tpu.dma_semaphore, #tpu.memory_space<semaphore_mem>>
      tpu.enqueue_dma source(%arg2 : memref<10112xf32, #tpu.memory_space<hbm>>) target(%arg7 : memref<10112xf32, #tpu.memory_space<vmem>>) target_semaphore(%run_scoped3A : memref<!tpu.dma_semaphore, #tpu.memory_space<semaphore_mem>>)
      tpu.wait_dma2 semaphore(%run_scoped3A : memref<!tpu.dma_semaphore, #tpu.memory_space<semaphore_mem>>) src(%arg2 : memref<10112xf32, #tpu.memory_space<hbm>>) dst(%arg7 : memref<10112xf32, #tpu.memory_space<vmem>>)
      tpu.yield
    }) : () -> ()
    "tpu.region"() ({
      %run_scoped3A = tpu.sem_alloc : memref<!tpu.dma_semaphore, #tpu.memory_space<semaphore_mem>>
      tpu.enqueue_dma source(%arg3 : memref<10112xf32, #tpu.memory_space<hbm>>) target(%arg8 : memref<10112xf32, #tpu.memory_space<vmem>>) target_semaphore(%run_scoped3A : memref<!tpu.dma_semaphore, #tpu.memory_space<semaphore_mem>>)
      tpu.wait_dma2 semaphore(%run_scoped3A : memref<!tpu.dma_semaphore, #tpu.memory_space<semaphore_mem>>) src(%arg3 : memref<10112xf32, #tpu.memory_space<hbm>>) dst(%arg8 : memref<10112xf32, #tpu.memory_space<vmem>>)
      tpu.yield
    }) : () -> ()
    %scan3A = arith.constant 0 : i32
    %scan3A_3 = arith.constant 0 : i32
    %scan3A_4 = arith.constant 125 : i32
    %scan3A_5 = arith.addi %scan3A_3, %scan3A_4 : i32
    %scan3A_6 = arith.constant 1 : i32
    scf.for %scan3A_8 = %scan3A_3 to %scan3A_5 step %scan3A_6  : i32 {
      %mul3A_9 = arith.constant 80 : i32
      %mul3A_10 = arith.muli %scan3A_8, %mul3A_9 : i32
      %add3A_11 = arith.addi %mul3A_2, %mul3A_10 : i32
      "tpu.region"() ({
        %run_scoped3A = tpu.sem_alloc : memref<!tpu.dma_semaphore, #tpu.memory_space<semaphore_mem>>
        %dma_start3A = tpu.memref_slice %arg4[%add3A_11] : memref<320000xi32, #tpu.memory_space<hbm>> -> memref<80xi32, #tpu.memory_space<hbm>>
        %dma_start3A_54 = tpu.memref_slice %arg4[%add3A_11] : memref<320000xi32, #tpu.memory_space<hbm>> -> memref<80xi32, #tpu.memory_space<hbm>>
        tpu.enqueue_dma source(%dma_start3A_54 : memref<80xi32, #tpu.memory_space<hbm>>) target(%arg9 : memref<80xi32, #tpu.memory_space<vmem>>) target_semaphore(%run_scoped3A : memref<!tpu.dma_semaphore, #tpu.memory_space<semaphore_mem>>)
        %dma_wait3A = tpu.memref_slice %arg4[%add3A_11] : memref<320000xi32, #tpu.memory_space<hbm>> -> memref<80xi32, #tpu.memory_space<hbm>>
        %dma_wait3A_55 = tpu.memref_slice %arg4[%add3A_11] : memref<320000xi32, #tpu.memory_space<hbm>> -> memref<80xi32, #tpu.memory_space<hbm>>
        tpu.wait_dma2 semaphore(%run_scoped3A : memref<!tpu.dma_semaphore, #tpu.memory_space<semaphore_mem>>) src(%dma_wait3A_55 : memref<80xi32, #tpu.memory_space<hbm>>) dst(%arg9 : memref<80xi32, #tpu.memory_space<vmem>>)
        tpu.yield
      }) : () -> ()
      "tpu.region"() ({
        %run_scoped3A = tpu.sem_alloc : memref<!tpu.dma_semaphore, #tpu.memory_space<semaphore_mem>>
        %dma_start3A = tpu.memref_slice %arg5[%add3A_11] : memref<320000xi32, #tpu.memory_space<hbm>> -> memref<80xi32, #tpu.memory_space<hbm>>
        %dma_start3A_54 = tpu.memref_slice %arg5[%add3A_11] : memref<320000xi32, #tpu.memory_space<hbm>> -> memref<80xi32, #tpu.memory_space<hbm>>
        tpu.enqueue_dma source(%dma_start3A_54 : memref<80xi32, #tpu.memory_space<hbm>>) target(%arg10 : memref<80xi32, #tpu.memory_space<vmem>>) target_semaphore(%run_scoped3A : memref<!tpu.dma_semaphore, #tpu.memory_space<semaphore_mem>>)
        %dma_wait3A = tpu.memref_slice %arg5[%add3A_11] : memref<320000xi32, #tpu.memory_space<hbm>> -> memref<80xi32, #tpu.memory_space<hbm>>
        %dma_wait3A_55 = tpu.memref_slice %arg5[%add3A_11] : memref<320000xi32, #tpu.memory_space<hbm>> -> memref<80xi32, #tpu.memory_space<hbm>>
        tpu.wait_dma2 semaphore(%run_scoped3A : memref<!tpu.dma_semaphore, #tpu.memory_space<semaphore_mem>>) src(%dma_wait3A_55 : memref<80xi32, #tpu.memory_space<hbm>>) dst(%arg10 : memref<80xi32, #tpu.memory_space<vmem>>)
        tpu.yield
      }) : () -> ()
      %get3A = arith.constant 0 : index
      %get3A_12 = tpu.vector_load %arg9[%get3A] {strides = array<i32>} : memref<80xi32, #tpu.memory_space<vmem>>, vector<16xi32>,
      %get3A_13 = arith.constant 0 : index
      %get3A_14 = tpu.vector_load %arg10[%get3A_13] {strides = array<i32>} : memref<80xi32, #tpu.memory_space<vmem>>, vector<16xi32>,
      %gather3A = tpu.vector_load_idx %arg7[%get3A_12] : memref<10112xf32, #tpu.memory_space<vmem>>[vector<16xi32>], vector<16xf32>,
      %gather3A_15 = tpu.vector_load_idx %arg8[%get3A_14] : memref<10112xf32, #tpu.memory_space<vmem>>[vector<16xi32>], vector<16xf32>,
      %add3A_16 = arith.addf %gather3A, %gather3A_15 : vector<16xf32>
      %swap3A = arith.constant 0 : index
      %swap3A_17 = tpu.vector_load %arg11[%swap3A] {strides = array<i32>} : memref<80xf32, #tpu.memory_space<vmem>>, vector<16xf32>,
      tpu.vector_store %arg11[%swap3A], %add3A_16 {strides = array<i32>} : memref<80xf32, #tpu.memory_space<vmem>>, vector<16xf32>,
      %get3A_18 = arith.constant 16 : index
      %get3A_19 = tpu.vector_load %arg9[%get3A_18] {strides = array<i32>} : memref<80xi32, #tpu.memory_space<vmem>>, vector<16xi32>,
      %get3A_20 = arith.constant 16 : index
      %get3A_21 = tpu.vector_load %arg10[%get3A_20] {strides = array<i32>} : memref<80xi32, #tpu.memory_space<vmem>>, vector<16xi32>,
      %gather3A_22 = tpu.vector_load_idx %arg7[%get3A_19] : memref<10112xf32, #tpu.memory_space<vmem>>[vector<16xi32>], vector<16xf32>,
      %gather3A_23 = tpu.vector_load_idx %arg8[%get3A_21] : memref<10112xf32, #tpu.memory_space<vmem>>[vector<16xi32>], vector<16xf32>,
      %add3A_24 = arith.addf %gather3A_22, %gather3A_23 : vector<16xf32>
      %swap3A_25 = arith.constant 16 : index
      %swap3A_26 = tpu.vector_load %arg11[%swap3A_25] {strides = array<i32>} : memref<80xf32, #tpu.memory_space<vmem>>, vector<16xf32>,
      tpu.vector_store %arg11[%swap3A_25], %add3A_24 {strides = array<i32>} : memref<80xf32, #tpu.memory_space<vmem>>, vector<16xf32>,
      %get3A_27 = arith.constant 32 : index
      %get3A_28 = tpu.vector_load %arg9[%get3A_27] {strides = array<i32>} : memref<80xi32, #tpu.memory_space<vmem>>, vector<16xi32>,
      %get3A_29 = arith.constant 32 : index
      %get3A_30 = tpu.vector_load %arg10[%get3A_29] {strides = array<i32>} : memref<80xi32, #tpu.memory_space<vmem>>, vector<16xi32>,
      %gather3A_31 = tpu.vector_load_idx %arg7[%get3A_28] : memref<10112xf32, #tpu.memory_space<vmem>>[vector<16xi32>], vector<16xf32>,
      %gather3A_32 = tpu.vector_load_idx %arg8[%get3A_30] : memref<10112xf32, #tpu.memory_space<vmem>>[vector<16xi32>], vector<16xf32>,
      %add3A_33 = arith.addf %gather3A_31, %gather3A_32 : vector<16xf32>
      %swap3A_34 = arith.constant 32 : index
      %swap3A_35 = tpu.vector_load %arg11[%swap3A_34] {strides = array<i32>} : memref<80xf32, #tpu.memory_space<vmem>>, vector<16xf32>,
      tpu.vector_store %arg11[%swap3A_34], %add3A_33 {strides = array<i32>} : memref<80xf32, #tpu.memory_space<vmem>>, vector<16xf32>,
      %get3A_36 = arith.constant 48 : index
      %get3A_37 = tpu.vector_load %arg9[%get3A_36] {strides = array<i32>} : memref<80xi32, #tpu.memory_space<vmem>>, vector<16xi32>,
      %get3A_38 = arith.constant 48 : index
      %get3A_39 = tpu.vector_load %arg10[%get3A_38] {strides = array<i32>} : memref<80xi32, #tpu.memory_space<vmem>>, vector<16xi32>,
      %gather3A_40 = tpu.vector_load_idx %arg7[%get3A_37] : memref<10112xf32, #tpu.memory_space<vmem>>[vector<16xi32>], vector<16xf32>,
      %gather3A_41 = tpu.vector_load_idx %arg8[%get3A_39] : memref<10112xf32, #tpu.memory_space<vmem>>[vector<16xi32>], vector<16xf32>,
      %add3A_42 = arith.addf %gather3A_40, %gather3A_41 : vector<16xf32>
      %swap3A_43 = arith.constant 48 : index
      %swap3A_44 = tpu.vector_load %arg11[%swap3A_43] {strides = array<i32>} : memref<80xf32, #tpu.memory_space<vmem>>, vector<16xf32>,
      tpu.vector_store %arg11[%swap3A_43], %add3A_42 {strides = array<i32>} : memref<80xf32, #tpu.memory_space<vmem>>, vector<16xf32>,
      %get3A_45 = arith.constant 64 : index
      %get3A_46 = tpu.vector_load %arg9[%get3A_45] {strides = array<i32>} : memref<80xi32, #tpu.memory_space<vmem>>, vector<16xi32>,
      %get3A_47 = arith.constant 64 : index
      %get3A_48 = tpu.vector_load %arg10[%get3A_47] {strides = array<i32>} : memref<80xi32, #tpu.memory_space<vmem>>, vector<16xi32>,
      %gather3A_49 = tpu.vector_load_idx %arg7[%get3A_46] : memref<10112xf32, #tpu.memory_space<vmem>>[vector<16xi32>], vector<16xf32>,
      %gather3A_50 = tpu.vector_load_idx %arg8[%get3A_48] : memref<10112xf32, #tpu.memory_space<vmem>>[vector<16xi32>], vector<16xf32>,
      %add3A_51 = arith.addf %gather3A_49, %gather3A_50 : vector<16xf32>
      %swap3A_52 = arith.constant 64 : index
      %swap3A_53 = tpu.vector_load %arg11[%swap3A_52] {strides = array<i32>} : memref<80xf32, #tpu.memory_space<vmem>>, vector<16xf32>,
      tpu.vector_store %arg11[%swap3A_52], %add3A_51 {strides = array<i32>} : memref<80xf32, #tpu.memory_space<vmem>>, vector<16xf32>,
      "tpu.region"() ({
        %run_scoped3A = tpu.sem_alloc : memref<!tpu.dma_semaphore, #tpu.memory_space<semaphore_mem>>
        %dma_start3A = tpu.memref_slice %arg6[%add3A_11] : memref<320000xf32, #tpu.memory_space<hbm>> -> memref<80xf32, #tpu.memory_space<hbm>>
        %dma_start3A_54 = tpu.memref_slice %arg6[%add3A_11] : memref<320000xf32, #tpu.memory_space<hbm>> -> memref<80xf32, #tpu.memory_space<hbm>>
        tpu.enqueue_dma source(%arg11 : memref<80xf32, #tpu.memory_space<vmem>>) target(%dma_start3A_54 : memref<80xf32, #tpu.memory_space<hbm>>) target_semaphore(%run_scoped3A : memref<!tpu.dma_semaphore, #tpu.memory_space<semaphore_mem>>)
        %dma_wait3A = tpu.memref_slice %arg6[%add3A_11] : memref<320000xf32, #tpu.memory_space<hbm>> -> memref<80xf32, #tpu.memory_space<hbm>>
        %dma_wait3A_55 = tpu.memref_slice %arg6[%add3A_11] : memref<320000xf32, #tpu.memory_space<hbm>> -> memref<80xf32, #tpu.memory_space<hbm>>
        tpu.wait_dma2 semaphore(%run_scoped3A : memref<!tpu.dma_semaphore, #tpu.memory_space<semaphore_mem>>) src(%arg11 : memref<80xf32, #tpu.memory_space<vmem>>) dst(%dma_wait3A_55 : memref<80xf32, #tpu.memory_space<hbm>>)
        tpu.yield
      }) : () -> ()
    }
    %scan3A_7 = arith.constant 125 : i32
    return
  }
}

#map = affine_map<(d0, d1) -> (0, 0)>
#map1 = affine_map<(d0, d1) -> (0, 0, 0)>
module attributes {stable_mosaic.version = 14 : i64} {
  func.func @body(%arg0: i32, %arg1: i32, %arg2: memref<10112x128xf32, #tpu.memory_space<hbm>>, %arg3: memref<10112x128xf32, #tpu.memory_space<hbm>>, %arg4: memref<32x125x80xi32, #tpu.memory_space<hbm>>, %arg5: memref<32x125x80xi32, #tpu.memory_space<hbm>>, %arg6: memref<10112x128xf32, #tpu.memory_space<hbm>>, %arg7: memref<20224x128xf32, #tpu.memory_space<hbm>>, %arg8: memref<320000x128xf32, #tpu.memory_space<hbm>>, %arg9: memref<320000x128xf32, #tpu.memory_space<hbm>>, %arg10: memref<80xi32, #tpu.memory_space<vmem>>, %arg11: memref<80xi32, #tpu.memory_space<vmem>>, %arg12: memref<80x128xf32, #tpu.memory_space<vmem>>, %arg13: memref<80x128xf32, #tpu.memory_space<vmem>>, %arg14: memref<80x128xf32, #tpu.memory_space<vmem>>, %arg15: memref<10112x128xf32, #tpu.memory_space<vmem_shared>>, %arg16: memref<!tpu.dma_semaphore, #tpu.memory_space<semaphore_mem>>) attributes {dimension_semantics = [#tpu.dimension_semantics<core_parallel>, #tpu.dimension_semantics<subcore_parallel>], iteration_bounds = array<i64: 2, 16>, scalar_prefetch = 0 : i64, scratch_operands = 7 : i64, tpu.core_type = #tpu.core_type<sc_vector_subcore>, window_params = [{transform_indices = #map}, {transform_indices = #map}, {transform_indices = #map1}, {transform_indices = #map1}, {transform_indices = #map}, {transform_indices = #map}, {transform_indices = #map}, {transform_indices = #map}]} {
    %mul3A = arith.constant 16 : i32
    %mul3A_0 = arith.muli %arg0, %mul3A : i32
    %add3A = arith.addi %mul3A_0, %arg1 : i32
    %mul3A_1 = arith.constant 10000 : i32
    %mul3A_2 = arith.muli %add3A, %mul3A_1 : i32
    %mul3A_3 = arith.constant 632 : i32
    %mul3A_4 = arith.muli %arg1, %mul3A_3 : i32
    "tpu.region"() ({
      %run_scoped3A = tpu.sem_alloc : memref<!tpu.dma_semaphore, #tpu.memory_space<semaphore_mem>>
      %dma_start3A = arith.constant 0 : i32
      %dma_start3A_18 = tpu.memref_slice %arg15[%mul3A_4, %dma_start3A] : memref<10112x128xf32, #tpu.memory_space<vmem_shared>> -> memref<632x128xf32, #tpu.memory_space<vmem_shared>>
      %dma_start3A_19 = arith.constant 0 : i32
      %dma_start3A_20 = tpu.memref_slice %arg6[%mul3A_4, %dma_start3A_19] : memref<10112x128xf32, #tpu.memory_space<hbm>> -> memref<632x128xf32, #tpu.memory_space<hbm>>
      tpu.enqueue_dma source(%dma_start3A_20 : memref<632x128xf32, #tpu.memory_space<hbm>>) target(%dma_start3A_18 : memref<632x128xf32, #tpu.memory_space<vmem_shared>>) target_semaphore(%run_scoped3A : memref<!tpu.dma_semaphore, #tpu.memory_space<semaphore_mem>>)
      %dma_wait3A = arith.constant 0 : i32
      %dma_wait3A_21 = tpu.memref_slice %arg15[%mul3A_4, %dma_wait3A] : memref<10112x128xf32, #tpu.memory_space<vmem_shared>> -> memref<632x128xf32, #tpu.memory_space<vmem_shared>>
      %dma_wait3A_22 = arith.constant 0 : i32
      %dma_wait3A_23 = tpu.memref_slice %arg6[%mul3A_4, %dma_wait3A_22] : memref<10112x128xf32, #tpu.memory_space<hbm>> -> memref<632x128xf32, #tpu.memory_space<hbm>>
      tpu.wait_dma2 semaphore(%run_scoped3A : memref<!tpu.dma_semaphore, #tpu.memory_space<semaphore_mem>>) src(%dma_wait3A_23 : memref<632x128xf32, #tpu.memory_space<hbm>>) dst(%dma_wait3A_21 : memref<632x128xf32, #tpu.memory_space<vmem_shared>>)
      tpu.yield
    }) : () -> ()
    %barrier3A = arith.constant 0 : index
    tpu.barrier barrier_id(%barrier3A)
    %scan3A = arith.constant 0 : i32
    %scan3A_5 = arith.constant 0 : i32
    %scan3A_6 = arith.constant 125 : i32
    %scan3A_7 = arith.addi %scan3A_5, %scan3A_6 : i32
    %scan3A_8 = arith.constant 1 : i32
    scf.for %scan3A_18 = %scan3A_5 to %scan3A_7 step %scan3A_8  : i32 {
      %mul3A_19 = arith.constant 80 : i32
      %mul3A_20 = arith.muli %scan3A_18, %mul3A_19 : i32
      %add3A_21 = arith.addi %mul3A_2, %mul3A_20 : i32
      "tpu.region"() ({
        %run_scoped3A = tpu.sem_alloc : memref<!tpu.dma_semaphore, #tpu.memory_space<semaphore_mem>>
        %dma_start3A_38 = arith.constant 0 : i32
        %dma_start3A_39 = tpu.memref_slice %arg4[%add3A, %scan3A_18, %dma_start3A_38] : memref<32x125x80xi32, #tpu.memory_space<hbm>> -> memref<1x1x80xi32, #tpu.memory_space<hbm>>
        %dma_start3A_40 = tpu.memref_squeeze %dma_start3A_39 : memref<1x1x80xi32, #tpu.memory_space<hbm>> -> memref<80xi32, #tpu.memory_space<hbm>>
        %dma_start3A_41 = arith.constant 0 : i32
        %dma_start3A_42 = tpu.memref_slice %arg4[%add3A, %scan3A_18, %dma_start3A_41] : memref<32x125x80xi32, #tpu.memory_space<hbm>> -> memref<1x1x80xi32, #tpu.memory_space<hbm>>
        %dma_start3A_43 = tpu.memref_squeeze %dma_start3A_42 : memref<1x1x80xi32, #tpu.memory_space<hbm>> -> memref<80xi32, #tpu.memory_space<hbm>>
        tpu.enqueue_dma source(%dma_start3A_43 : memref<80xi32, #tpu.memory_space<hbm>>) target(%arg10 : memref<80xi32, #tpu.memory_space<vmem>>) target_semaphore(%run_scoped3A : memref<!tpu.dma_semaphore, #tpu.memory_space<semaphore_mem>>)
        %dma_wait3A_44 = arith.constant 0 : i32
        %dma_wait3A_45 = tpu.memref_slice %arg4[%add3A, %scan3A_18, %dma_wait3A_44] : memref<32x125x80xi32, #tpu.memory_space<hbm>> -> memref<1x1x80xi32, #tpu.memory_space<hbm>>
        %dma_wait3A_46 = tpu.memref_squeeze %dma_wait3A_45 : memref<1x1x80xi32, #tpu.memory_space<hbm>> -> memref<80xi32, #tpu.memory_space<hbm>>
        %dma_wait3A_47 = arith.constant 0 : i32
        %dma_wait3A_48 = tpu.memref_slice %arg4[%add3A, %scan3A_18, %dma_wait3A_47] : memref<32x125x80xi32, #tpu.memory_space<hbm>> -> memref<1x1x80xi32, #tpu.memory_space<hbm>>
        %dma_wait3A_49 = tpu.memref_squeeze %dma_wait3A_48 : memref<1x1x80xi32, #tpu.memory_space<hbm>> -> memref<80xi32, #tpu.memory_space<hbm>>
        tpu.wait_dma2 semaphore(%run_scoped3A : memref<!tpu.dma_semaphore, #tpu.memory_space<semaphore_mem>>) src(%dma_wait3A_49 : memref<80xi32, #tpu.memory_space<hbm>>) dst(%arg10 : memref<80xi32, #tpu.memory_space<vmem>>)
        tpu.yield
      }) : () -> ()
      "tpu.region"() ({
        %run_scoped3A = tpu.sem_alloc : memref<!tpu.dma_semaphore, #tpu.memory_space<semaphore_mem>>
        %dma_start3A_38 = arith.constant 0 : i32
        %dma_start3A_39 = tpu.memref_slice %arg5[%add3A, %scan3A_18, %dma_start3A_38] : memref<32x125x80xi32, #tpu.memory_space<hbm>> -> memref<1x1x80xi32, #tpu.memory_space<hbm>>
        %dma_start3A_40 = tpu.memref_squeeze %dma_start3A_39 : memref<1x1x80xi32, #tpu.memory_space<hbm>> -> memref<80xi32, #tpu.memory_space<hbm>>
        %dma_start3A_41 = arith.constant 0 : i32
        %dma_start3A_42 = tpu.memref_slice %arg5[%add3A, %scan3A_18, %dma_start3A_41] : memref<32x125x80xi32, #tpu.memory_space<hbm>> -> memref<1x1x80xi32, #tpu.memory_space<hbm>>
        %dma_start3A_43 = tpu.memref_squeeze %dma_start3A_42 : memref<1x1x80xi32, #tpu.memory_space<hbm>> -> memref<80xi32, #tpu.memory_space<hbm>>
        tpu.enqueue_dma source(%dma_start3A_43 : memref<80xi32, #tpu.memory_space<hbm>>) target(%arg11 : memref<80xi32, #tpu.memory_space<vmem>>) target_semaphore(%run_scoped3A : memref<!tpu.dma_semaphore, #tpu.memory_space<semaphore_mem>>)
        %dma_wait3A_44 = arith.constant 0 : i32
        %dma_wait3A_45 = tpu.memref_slice %arg5[%add3A, %scan3A_18, %dma_wait3A_44] : memref<32x125x80xi32, #tpu.memory_space<hbm>> -> memref<1x1x80xi32, #tpu.memory_space<hbm>>
        %dma_wait3A_46 = tpu.memref_squeeze %dma_wait3A_45 : memref<1x1x80xi32, #tpu.memory_space<hbm>> -> memref<80xi32, #tpu.memory_space<hbm>>
        %dma_wait3A_47 = arith.constant 0 : i32
        %dma_wait3A_48 = tpu.memref_slice %arg5[%add3A, %scan3A_18, %dma_wait3A_47] : memref<32x125x80xi32, #tpu.memory_space<hbm>> -> memref<1x1x80xi32, #tpu.memory_space<hbm>>
        %dma_wait3A_49 = tpu.memref_squeeze %dma_wait3A_48 : memref<1x1x80xi32, #tpu.memory_space<hbm>> -> memref<80xi32, #tpu.memory_space<hbm>>
        tpu.wait_dma2 semaphore(%run_scoped3A : memref<!tpu.dma_semaphore, #tpu.memory_space<semaphore_mem>>) src(%dma_wait3A_49 : memref<80xi32, #tpu.memory_space<hbm>>) dst(%arg11 : memref<80xi32, #tpu.memory_space<vmem>>)
        tpu.yield
      }) : () -> ()
      %dma_start3A = arith.constant 0 : i32
      %dma_start3A_22 = arith.constant 0 : i32
      %dma_start3A_23 = tpu.memref_slice %arg2[%dma_start3A, %dma_start3A_22] : memref<10112x128xf32, #tpu.memory_space<hbm>> -> memref<10112x128xf32, #tpu.memory_space<hbm>>
      tpu.enqueue_indirect_dma source(%dma_start3A_23 : memref<10112x128xf32, #tpu.memory_space<hbm>>) target(%arg12 : memref<80x128xf32, #tpu.memory_space<vmem>>) offsets(%arg10 : memref<80xi32, #tpu.memory_space<vmem>>) semaphore(%arg16 : memref<!tpu.dma_semaphore, #tpu.memory_space<semaphore_mem>>)
      %dma_start3A_24 = arith.constant 0 : i32
      %dma_start3A_25 = arith.constant 0 : i32
      %dma_start3A_26 = tpu.memref_slice %arg3[%dma_start3A_24, %dma_start3A_25] : memref<10112x128xf32, #tpu.memory_space<hbm>> -> memref<10112x128xf32, #tpu.memory_space<hbm>>
      tpu.enqueue_indirect_dma source(%dma_start3A_26 : memref<10112x128xf32, #tpu.memory_space<hbm>>) target(%arg13 : memref<80x128xf32, #tpu.memory_space<vmem>>) offsets(%arg10 : memref<80xi32, #tpu.memory_space<vmem>>) semaphore(%arg16 : memref<!tpu.dma_semaphore, #tpu.memory_space<semaphore_mem>>)
      %dma_start3A_27 = arith.constant 0 : i32
      %dma_start3A_28 = arith.constant 0 : i32
      %dma_start3A_29 = tpu.memref_slice %arg3[%dma_start3A_27, %dma_start3A_28] : memref<10112x128xf32, #tpu.memory_space<hbm>> -> memref<10112x128xf32, #tpu.memory_space<hbm>>
      tpu.enqueue_indirect_dma source(%dma_start3A_29 : memref<10112x128xf32, #tpu.memory_space<hbm>>) target(%arg14 : memref<80x128xf32, #tpu.memory_space<vmem>>) offsets(%arg11 : memref<80xi32, #tpu.memory_space<vmem>>) semaphore(%arg16 : memref<!tpu.dma_semaphore, #tpu.memory_space<semaphore_mem>>)
      %dma_wait3A = arith.constant 0 : i32
      %dma_wait3A_30 = arith.constant 0 : i32
      %dma_wait3A_31 = tpu.memref_slice %arg2[%dma_wait3A, %dma_wait3A_30] : memref<10112x128xf32, #tpu.memory_space<hbm>> -> memref<10112x128xf32, #tpu.memory_space<hbm>>
      tpu.wait_indirect_dma semaphore(%arg16 : memref<!tpu.dma_semaphore, #tpu.memory_space<semaphore_mem>>) src(%dma_wait3A_31 : memref<10112x128xf32, #tpu.memory_space<hbm>>) dst(%arg12 : memref<80x128xf32, #tpu.memory_space<vmem>>)
      %dma_wait3A_32 = arith.constant 0 : i32
      %dma_wait3A_33 = arith.constant 0 : i32
      %dma_wait3A_34 = tpu.memref_slice %arg3[%dma_wait3A_32, %dma_wait3A_33] : memref<10112x128xf32, #tpu.memory_space<hbm>> -> memref<10112x128xf32, #tpu.memory_space<hbm>>
      tpu.wait_indirect_dma semaphore(%arg16 : memref<!tpu.dma_semaphore, #tpu.memory_space<semaphore_mem>>) src(%dma_wait3A_34 : memref<10112x128xf32, #tpu.memory_space<hbm>>) dst(%arg13 : memref<80x128xf32, #tpu.memory_space<vmem>>)
      %dma_wait3A_35 = arith.constant 0 : i32
      %dma_wait3A_36 = arith.constant 0 : i32
      %dma_wait3A_37 = tpu.memref_slice %arg3[%dma_wait3A_35, %dma_wait3A_36] : memref<10112x128xf32, #tpu.memory_space<hbm>> -> memref<10112x128xf32, #tpu.memory_space<hbm>>
      tpu.wait_indirect_dma semaphore(%arg16 : memref<!tpu.dma_semaphore, #tpu.memory_space<semaphore_mem>>) src(%dma_wait3A_37 : memref<10112x128xf32, #tpu.memory_space<hbm>>) dst(%arg14 : memref<80x128xf32, #tpu.memory_space<vmem>>)
      "tpu.region"() ({
        %run_scoped3A = tpu.sem_alloc : memref<!tpu.dma_semaphore, #tpu.memory_space<semaphore_mem>>
        %dma_start3A_38 = arith.constant 0 : i32
        %dma_start3A_39 = arith.constant 0 : i32
        %dma_start3A_40 = tpu.memref_slice %arg15[%dma_start3A_38, %dma_start3A_39] : memref<10112x128xf32, #tpu.memory_space<vmem_shared>> -> memref<10112x128xf32, #tpu.memory_space<vmem_shared>>
        tpu.enqueue_indirect_dma source(%arg12 : memref<80x128xf32, #tpu.memory_space<vmem>>) target(%dma_start3A_40 : memref<10112x128xf32, #tpu.memory_space<vmem_shared>>) offsets(%arg11 : memref<80xi32, #tpu.memory_space<vmem>>) semaphore(%run_scoped3A : memref<!tpu.dma_semaphore, #tpu.memory_space<semaphore_mem>>) {add = true}
        %dma_wait3A_41 = arith.constant 0 : i32
        %dma_wait3A_42 = arith.constant 0 : i32
        %dma_wait3A_43 = tpu.memref_slice %arg15[%dma_wait3A_41, %dma_wait3A_42] : memref<10112x128xf32, #tpu.memory_space<vmem_shared>> -> memref<10112x128xf32, #tpu.memory_space<vmem_shared>>
        tpu.wait_indirect_dma semaphore(%run_scoped3A : memref<!tpu.dma_semaphore, #tpu.memory_space<semaphore_mem>>) src(%arg12 : memref<80x128xf32, #tpu.memory_space<vmem>>) dst(%dma_wait3A_43 : memref<10112x128xf32, #tpu.memory_space<vmem_shared>>)
        tpu.yield
      }) : () -> ()
      "tpu.region"() ({
        %run_scoped3A = tpu.sem_alloc : memref<!tpu.dma_semaphore, #tpu.memory_space<semaphore_mem>>
        %dma_start3A_38 = arith.constant 0 : i32
        %dma_start3A_39 = tpu.memref_slice %arg8[%add3A_21, %dma_start3A_38] : memref<320000x128xf32, #tpu.memory_space<hbm>> -> memref<80x128xf32, #tpu.memory_space<hbm>>
        %dma_start3A_40 = arith.constant 0 : i32
        %dma_start3A_41 = tpu.memref_slice %arg8[%add3A_21, %dma_start3A_40] : memref<320000x128xf32, #tpu.memory_space<hbm>> -> memref<80x128xf32, #tpu.memory_space<hbm>>
        tpu.enqueue_dma source(%arg13 : memref<80x128xf32, #tpu.memory_space<vmem>>) target(%dma_start3A_41 : memref<80x128xf32, #tpu.memory_space<hbm>>) target_semaphore(%run_scoped3A : memref<!tpu.dma_semaphore, #tpu.memory_space<semaphore_mem>>)
        %dma_wait3A_42 = arith.constant 0 : i32
        %dma_wait3A_43 = tpu.memref_slice %arg8[%add3A_21, %dma_wait3A_42] : memref<320000x128xf32, #tpu.memory_space<hbm>> -> memref<80x128xf32, #tpu.memory_space<hbm>>
        %dma_wait3A_44 = arith.constant 0 : i32
        %dma_wait3A_45 = tpu.memref_slice %arg8[%add3A_21, %dma_wait3A_44] : memref<320000x128xf32, #tpu.memory_space<hbm>> -> memref<80x128xf32, #tpu.memory_space<hbm>>
        tpu.wait_dma2 semaphore(%run_scoped3A : memref<!tpu.dma_semaphore, #tpu.memory_space<semaphore_mem>>) src(%arg13 : memref<80x128xf32, #tpu.memory_space<vmem>>) dst(%dma_wait3A_45 : memref<80x128xf32, #tpu.memory_space<hbm>>)
        tpu.yield
      }) : () -> ()
      "tpu.region"() ({
        %run_scoped3A = tpu.sem_alloc : memref<!tpu.dma_semaphore, #tpu.memory_space<semaphore_mem>>
        %dma_start3A_38 = arith.constant 0 : i32
        %dma_start3A_39 = tpu.memref_slice %arg9[%add3A_21, %dma_start3A_38] : memref<320000x128xf32, #tpu.memory_space<hbm>> -> memref<80x128xf32, #tpu.memory_space<hbm>>
        %dma_start3A_40 = arith.constant 0 : i32
        %dma_start3A_41 = tpu.memref_slice %arg9[%add3A_21, %dma_start3A_40] : memref<320000x128xf32, #tpu.memory_space<hbm>> -> memref<80x128xf32, #tpu.memory_space<hbm>>
        tpu.enqueue_dma source(%arg14 : memref<80x128xf32, #tpu.memory_space<vmem>>) target(%dma_start3A_41 : memref<80x128xf32, #tpu.memory_space<hbm>>) target_semaphore(%run_scoped3A : memref<!tpu.dma_semaphore, #tpu.memory_space<semaphore_mem>>)
        %dma_wait3A_42 = arith.constant 0 : i32
        %dma_wait3A_43 = tpu.memref_slice %arg9[%add3A_21, %dma_wait3A_42] : memref<320000x128xf32, #tpu.memory_space<hbm>> -> memref<80x128xf32, #tpu.memory_space<hbm>>
        %dma_wait3A_44 = arith.constant 0 : i32
        %dma_wait3A_45 = tpu.memref_slice %arg9[%add3A_21, %dma_wait3A_44] : memref<320000x128xf32, #tpu.memory_space<hbm>> -> memref<80x128xf32, #tpu.memory_space<hbm>>
        tpu.wait_dma2 semaphore(%run_scoped3A : memref<!tpu.dma_semaphore, #tpu.memory_space<semaphore_mem>>) src(%arg14 : memref<80x128xf32, #tpu.memory_space<vmem>>) dst(%dma_wait3A_45 : memref<80x128xf32, #tpu.memory_space<hbm>>)
        tpu.yield
      }) : () -> ()
    }
    %scan3A_9 = arith.constant 125 : i32
    %barrier3A_10 = arith.constant 0 : index
    tpu.barrier barrier_id(%barrier3A_10)
    %mul3A_11 = arith.constant 632 : i32
    %mul3A_12 = arith.muli %arg1, %mul3A_11 : i32
    %mul3A_13 = arith.constant 10112 : i32
    %mul3A_14 = arith.muli %arg0, %mul3A_13 : i32
    %mul3A_15 = arith.constant 632 : i32
    %mul3A_16 = arith.muli %arg1, %mul3A_15 : i32
    %add3A_17 = arith.addi %mul3A_14, %mul3A_16 : i32
    "tpu.region"() ({
      %run_scoped3A = tpu.sem_alloc : memref<!tpu.dma_semaphore, #tpu.memory_space<semaphore_mem>>
      %dma_start3A = arith.constant 0 : i32
      %dma_start3A_18 = tpu.memref_slice %arg7[%add3A_17, %dma_start3A] : memref<20224x128xf32, #tpu.memory_space<hbm>> -> memref<632x128xf32, #tpu.memory_space<hbm>>
      %dma_start3A_19 = arith.constant 0 : i32
      %dma_start3A_20 = tpu.memref_slice %arg15[%mul3A_12, %dma_start3A_19] : memref<10112x128xf32, #tpu.memory_space<vmem_shared>> -> memref<632x128xf32, #tpu.memory_space<vmem_shared>>
      tpu.enqueue_dma source(%dma_start3A_20 : memref<632x128xf32, #tpu.memory_space<vmem_shared>>) target(%dma_start3A_18 : memref<632x128xf32, #tpu.memory_space<hbm>>) target_semaphore(%run_scoped3A : memref<!tpu.dma_semaphore, #tpu.memory_space<semaphore_mem>>)
      %dma_wait3A = arith.constant 0 : i32
      %dma_wait3A_21 = tpu.memref_slice %arg7[%add3A_17, %dma_wait3A] : memref<20224x128xf32, #tpu.memory_space<hbm>> -> memref<632x128xf32, #tpu.memory_space<hbm>>
      %dma_wait3A_22 = arith.constant 0 : i32
      %dma_wait3A_23 = tpu.memref_slice %arg15[%mul3A_12, %dma_wait3A_22] : memref<10112x128xf32, #tpu.memory_space<vmem_shared>> -> memref<632x128xf32, #tpu.memory_space<vmem_shared>>
      tpu.wait_dma2 semaphore(%run_scoped3A : memref<!tpu.dma_semaphore, #tpu.memory_space<semaphore_mem>>) src(%dma_wait3A_23 : memref<632x128xf32, #tpu.memory_space<vmem_shared>>) dst(%dma_wait3A_21 : memref<632x128xf32, #tpu.memory_space<hbm>>)
      tpu.yield
    }) : () -> ()
    return
  }
}

#map = affine_map<(d0, d1) -> (0, 0)>
#map1 = affine_map<(d0, d1) -> (0, 0, 0)>
module attributes {stable_mosaic.version = 14 : i64} {
  func.func @body(%arg0: i32, %arg1: i32, %arg2: memref<10112x128xf32, #tpu.memory_space<hbm>>, %arg3: memref<32x125x80xi32, #tpu.memory_space<hbm>>, %arg4: memref<32x125x80xi32, #tpu.memory_space<hbm>>, %arg5: memref<10112x128xf32, #tpu.memory_space<hbm>>, %arg6: memref<20224x128xf32, #tpu.memory_space<hbm>>, %arg7: memref<320000x128xf32, #tpu.memory_space<hbm>>, %arg8: memref<320000x128xf32, #tpu.memory_space<hbm>>, %arg9: memref<80xi32, #tpu.memory_space<vmem>>, %arg10: memref<80xi32, #tpu.memory_space<vmem>>, %arg11: memref<80x128xf32, #tpu.memory_space<vmem>>, %arg12: memref<80x128xf32, #tpu.memory_space<vmem>>, %arg13: memref<10112x128xf32, #tpu.memory_space<vmem_shared>>, %arg14: memref<!tpu.dma_semaphore, #tpu.memory_space<semaphore_mem>>) attributes {dimension_semantics = [#tpu.dimension_semantics<core_parallel>, #tpu.dimension_semantics<subcore_parallel>], iteration_bounds = array<i64: 2, 16>, scalar_prefetch = 0 : i64, scratch_operands = 6 : i64, tpu.core_type = #tpu.core_type<sc_vector_subcore>, window_params = [{transform_indices = #map}, {transform_indices = #map1}, {transform_indices = #map1}, {transform_indices = #map}, {transform_indices = #map}, {transform_indices = #map}, {transform_indices = #map}]} {
    %mul3A = arith.constant 16 : i32
    %mul3A_0 = arith.muli %arg0, %mul3A : i32
    %add3A = arith.addi %mul3A_0, %arg1 : i32
    %mul3A_1 = arith.constant 10000 : i32
    %mul3A_2 = arith.muli %add3A, %mul3A_1 : i32
    %mul3A_3 = arith.constant 632 : i32
    %mul3A_4 = arith.muli %arg1, %mul3A_3 : i32
    "tpu.region"() ({
      %run_scoped3A = tpu.sem_alloc : memref<!tpu.dma_semaphore, #tpu.memory_space<semaphore_mem>>
      %dma_start3A = arith.constant 0 : i32
      %dma_start3A_18 = tpu.memref_slice %arg13[%mul3A_4, %dma_start3A] : memref<10112x128xf32, #tpu.memory_space<vmem_shared>> -> memref<632x128xf32, #tpu.memory_space<vmem_shared>>
      %dma_start3A_19 = arith.constant 0 : i32
      %dma_start3A_20 = tpu.memref_slice %arg5[%mul3A_4, %dma_start3A_19] : memref<10112x128xf32, #tpu.memory_space<hbm>> -> memref<632x128xf32, #tpu.memory_space<hbm>>
      tpu.enqueue_dma source(%dma_start3A_20 : memref<632x128xf32, #tpu.memory_space<hbm>>) target(%dma_start3A_18 : memref<632x128xf32, #tpu.memory_space<vmem_shared>>) target_semaphore(%run_scoped3A : memref<!tpu.dma_semaphore, #tpu.memory_space<semaphore_mem>>)
      %dma_wait3A = arith.constant 0 : i32
      %dma_wait3A_21 = tpu.memref_slice %arg13[%mul3A_4, %dma_wait3A] : memref<10112x128xf32, #tpu.memory_space<vmem_shared>> -> memref<632x128xf32, #tpu.memory_space<vmem_shared>>
      %dma_wait3A_22 = arith.constant 0 : i32
      %dma_wait3A_23 = tpu.memref_slice %arg5[%mul3A_4, %dma_wait3A_22] : memref<10112x128xf32, #tpu.memory_space<hbm>> -> memref<632x128xf32, #tpu.memory_space<hbm>>
      tpu.wait_dma2 semaphore(%run_scoped3A : memref<!tpu.dma_semaphore, #tpu.memory_space<semaphore_mem>>) src(%dma_wait3A_23 : memref<632x128xf32, #tpu.memory_space<hbm>>) dst(%dma_wait3A_21 : memref<632x128xf32, #tpu.memory_space<vmem_shared>>)
      tpu.yield
    }) : () -> ()
    %barrier3A = arith.constant 0 : index
    tpu.barrier barrier_id(%barrier3A)
    %scan3A = arith.constant 0 : i32
    %scan3A_5 = arith.constant 0 : i32
    %scan3A_6 = arith.constant 125 : i32
    %scan3A_7 = arith.addi %scan3A_5, %scan3A_6 : i32
    %scan3A_8 = arith.constant 1 : i32
    scf.for %scan3A_18 = %scan3A_5 to %scan3A_7 step %scan3A_8  : i32 {
      %mul3A_19 = arith.constant 80 : i32
      %mul3A_20 = arith.muli %scan3A_18, %mul3A_19 : i32
      %add3A_21 = arith.addi %mul3A_2, %mul3A_20 : i32
      "tpu.region"() ({
        %run_scoped3A = tpu.sem_alloc : memref<!tpu.dma_semaphore, #tpu.memory_space<semaphore_mem>>
        %dma_start3A_32 = arith.constant 0 : i32
        %dma_start3A_33 = tpu.memref_slice %arg3[%add3A, %scan3A_18, %dma_start3A_32] : memref<32x125x80xi32, #tpu.memory_space<hbm>> -> memref<1x1x80xi32, #tpu.memory_space<hbm>>
        %dma_start3A_34 = tpu.memref_squeeze %dma_start3A_33 : memref<1x1x80xi32, #tpu.memory_space<hbm>> -> memref<80xi32, #tpu.memory_space<hbm>>
        %dma_start3A_35 = arith.constant 0 : i32
        %dma_start3A_36 = tpu.memref_slice %arg3[%add3A, %scan3A_18, %dma_start3A_35] : memref<32x125x80xi32, #tpu.memory_space<hbm>> -> memref<1x1x80xi32, #tpu.memory_space<hbm>>
        %dma_start3A_37 = tpu.memref_squeeze %dma_start3A_36 : memref<1x1x80xi32, #tpu.memory_space<hbm>> -> memref<80xi32, #tpu.memory_space<hbm>>
        tpu.enqueue_dma source(%dma_start3A_37 : memref<80xi32, #tpu.memory_space<hbm>>) target(%arg9 : memref<80xi32, #tpu.memory_space<vmem>>) target_semaphore(%run_scoped3A : memref<!tpu.dma_semaphore, #tpu.memory_space<semaphore_mem>>)
        %dma_wait3A_38 = arith.constant 0 : i32
        %dma_wait3A_39 = tpu.memref_slice %arg3[%add3A, %scan3A_18, %dma_wait3A_38] : memref<32x125x80xi32, #tpu.memory_space<hbm>> -> memref<1x1x80xi32, #tpu.memory_space<hbm>>
        %dma_wait3A_40 = tpu.memref_squeeze %dma_wait3A_39 : memref<1x1x80xi32, #tpu.memory_space<hbm>> -> memref<80xi32, #tpu.memory_space<hbm>>
        %dma_wait3A_41 = arith.constant 0 : i32
        %dma_wait3A_42 = tpu.memref_slice %arg3[%add3A, %scan3A_18, %dma_wait3A_41] : memref<32x125x80xi32, #tpu.memory_space<hbm>> -> memref<1x1x80xi32, #tpu.memory_space<hbm>>
        %dma_wait3A_43 = tpu.memref_squeeze %dma_wait3A_42 : memref<1x1x80xi32, #tpu.memory_space<hbm>> -> memref<80xi32, #tpu.memory_space<hbm>>
        tpu.wait_dma2 semaphore(%run_scoped3A : memref<!tpu.dma_semaphore, #tpu.memory_space<semaphore_mem>>) src(%dma_wait3A_43 : memref<80xi32, #tpu.memory_space<hbm>>) dst(%arg9 : memref<80xi32, #tpu.memory_space<vmem>>)
        tpu.yield
      }) : () -> ()
      "tpu.region"() ({
        %run_scoped3A = tpu.sem_alloc : memref<!tpu.dma_semaphore, #tpu.memory_space<semaphore_mem>>
        %dma_start3A_32 = arith.constant 0 : i32
        %dma_start3A_33 = tpu.memref_slice %arg4[%add3A, %scan3A_18, %dma_start3A_32] : memref<32x125x80xi32, #tpu.memory_space<hbm>> -> memref<1x1x80xi32, #tpu.memory_space<hbm>>
        %dma_start3A_34 = tpu.memref_squeeze %dma_start3A_33 : memref<1x1x80xi32, #tpu.memory_space<hbm>> -> memref<80xi32, #tpu.memory_space<hbm>>
        %dma_start3A_35 = arith.constant 0 : i32
        %dma_start3A_36 = tpu.memref_slice %arg4[%add3A, %scan3A_18, %dma_start3A_35] : memref<32x125x80xi32, #tpu.memory_space<hbm>> -> memref<1x1x80xi32, #tpu.memory_space<hbm>>
        %dma_start3A_37 = tpu.memref_squeeze %dma_start3A_36 : memref<1x1x80xi32, #tpu.memory_space<hbm>> -> memref<80xi32, #tpu.memory_space<hbm>>
        tpu.enqueue_dma source(%dma_start3A_37 : memref<80xi32, #tpu.memory_space<hbm>>) target(%arg10 : memref<80xi32, #tpu.memory_space<vmem>>) target_semaphore(%run_scoped3A : memref<!tpu.dma_semaphore, #tpu.memory_space<semaphore_mem>>)
        %dma_wait3A_38 = arith.constant 0 : i32
        %dma_wait3A_39 = tpu.memref_slice %arg4[%add3A, %scan3A_18, %dma_wait3A_38] : memref<32x125x80xi32, #tpu.memory_space<hbm>> -> memref<1x1x80xi32, #tpu.memory_space<hbm>>
        %dma_wait3A_40 = tpu.memref_squeeze %dma_wait3A_39 : memref<1x1x80xi32, #tpu.memory_space<hbm>> -> memref<80xi32, #tpu.memory_space<hbm>>
        %dma_wait3A_41 = arith.constant 0 : i32
        %dma_wait3A_42 = tpu.memref_slice %arg4[%add3A, %scan3A_18, %dma_wait3A_41] : memref<32x125x80xi32, #tpu.memory_space<hbm>> -> memref<1x1x80xi32, #tpu.memory_space<hbm>>
        %dma_wait3A_43 = tpu.memref_squeeze %dma_wait3A_42 : memref<1x1x80xi32, #tpu.memory_space<hbm>> -> memref<80xi32, #tpu.memory_space<hbm>>
        tpu.wait_dma2 semaphore(%run_scoped3A : memref<!tpu.dma_semaphore, #tpu.memory_space<semaphore_mem>>) src(%dma_wait3A_43 : memref<80xi32, #tpu.memory_space<hbm>>) dst(%arg10 : memref<80xi32, #tpu.memory_space<vmem>>)
        tpu.yield
      }) : () -> ()
      %dma_start3A = arith.constant 0 : i32
      %dma_start3A_22 = arith.constant 0 : i32
      %dma_start3A_23 = tpu.memref_slice %arg2[%dma_start3A, %dma_start3A_22] : memref<10112x128xf32, #tpu.memory_space<hbm>> -> memref<10112x128xf32, #tpu.memory_space<hbm>>
      tpu.enqueue_indirect_dma source(%dma_start3A_23 : memref<10112x128xf32, #tpu.memory_space<hbm>>) target(%arg11 : memref<80x128xf32, #tpu.memory_space<vmem>>) offsets(%arg9 : memref<80xi32, #tpu.memory_space<vmem>>) semaphore(%arg14 : memref<!tpu.dma_semaphore, #tpu.memory_space<semaphore_mem>>)
      %dma_start3A_24 = arith.constant 0 : i32
      %dma_start3A_25 = arith.constant 0 : i32
      %dma_start3A_26 = tpu.memref_slice %arg2[%dma_start3A_24, %dma_start3A_25] : memref<10112x128xf32, #tpu.memory_space<hbm>> -> memref<10112x128xf32, #tpu.memory_space<hbm>>
      tpu.enqueue_indirect_dma source(%dma_start3A_26 : memref<10112x128xf32, #tpu.memory_space<hbm>>) target(%arg12 : memref<80x128xf32, #tpu.memory_space<vmem>>) offsets(%arg10 : memref<80xi32, #tpu.memory_space<vmem>>) semaphore(%arg14 : memref<!tpu.dma_semaphore, #tpu.memory_space<semaphore_mem>>)
      %dma_wait3A = arith.constant 0 : i32
      %dma_wait3A_27 = arith.constant 0 : i32
      %dma_wait3A_28 = tpu.memref_slice %arg2[%dma_wait3A, %dma_wait3A_27] : memref<10112x128xf32, #tpu.memory_space<hbm>> -> memref<10112x128xf32, #tpu.memory_space<hbm>>
      tpu.wait_indirect_dma semaphore(%arg14 : memref<!tpu.dma_semaphore, #tpu.memory_space<semaphore_mem>>) src(%dma_wait3A_28 : memref<10112x128xf32, #tpu.memory_space<hbm>>) dst(%arg11 : memref<80x128xf32, #tpu.memory_space<vmem>>)
      %dma_wait3A_29 = arith.constant 0 : i32
      %dma_wait3A_30 = arith.constant 0 : i32
      %dma_wait3A_31 = tpu.memref_slice %arg2[%dma_wait3A_29, %dma_wait3A_30] : memref<10112x128xf32, #tpu.memory_space<hbm>> -> memref<10112x128xf32, #tpu.memory_space<hbm>>
      tpu.wait_indirect_dma semaphore(%arg14 : memref<!tpu.dma_semaphore, #tpu.memory_space<semaphore_mem>>) src(%dma_wait3A_31 : memref<10112x128xf32, #tpu.memory_space<hbm>>) dst(%arg12 : memref<80x128xf32, #tpu.memory_space<vmem>>)
      "tpu.region"() ({
        %run_scoped3A = tpu.sem_alloc : memref<!tpu.dma_semaphore, #tpu.memory_space<semaphore_mem>>
        %dma_start3A_32 = arith.constant 0 : i32
        %dma_start3A_33 = arith.constant 0 : i32
        %dma_start3A_34 = tpu.memref_slice %arg13[%dma_start3A_32, %dma_start3A_33] : memref<10112x128xf32, #tpu.memory_space<vmem_shared>> -> memref<10112x128xf32, #tpu.memory_space<vmem_shared>>
        tpu.enqueue_indirect_dma source(%arg11 : memref<80x128xf32, #tpu.memory_space<vmem>>) target(%dma_start3A_34 : memref<10112x128xf32, #tpu.memory_space<vmem_shared>>) offsets(%arg10 : memref<80xi32, #tpu.memory_space<vmem>>) semaphore(%run_scoped3A : memref<!tpu.dma_semaphore, #tpu.memory_space<semaphore_mem>>) {add = true}
        %dma_wait3A_35 = arith.constant 0 : i32
        %dma_wait3A_36 = arith.constant 0 : i32
        %dma_wait3A_37 = tpu.memref_slice %arg13[%dma_wait3A_35, %dma_wait3A_36] : memref<10112x128xf32, #tpu.memory_space<vmem_shared>> -> memref<10112x128xf32, #tpu.memory_space<vmem_shared>>
        tpu.wait_indirect_dma semaphore(%run_scoped3A : memref<!tpu.dma_semaphore, #tpu.memory_space<semaphore_mem>>) src(%arg11 : memref<80x128xf32, #tpu.memory_space<vmem>>) dst(%dma_wait3A_37 : memref<10112x128xf32, #tpu.memory_space<vmem_shared>>)
        tpu.yield
      }) : () -> ()
      "tpu.region"() ({
        %run_scoped3A = tpu.sem_alloc : memref<!tpu.dma_semaphore, #tpu.memory_space<semaphore_mem>>
        %dma_start3A_32 = arith.constant 0 : i32
        %dma_start3A_33 = tpu.memref_slice %arg7[%add3A_21, %dma_start3A_32] : memref<320000x128xf32, #tpu.memory_space<hbm>> -> memref<80x128xf32, #tpu.memory_space<hbm>>
        %dma_start3A_34 = arith.constant 0 : i32
        %dma_start3A_35 = tpu.memref_slice %arg7[%add3A_21, %dma_start3A_34] : memref<320000x128xf32, #tpu.memory_space<hbm>> -> memref<80x128xf32, #tpu.memory_space<hbm>>
        tpu.enqueue_dma source(%arg11 : memref<80x128xf32, #tpu.memory_space<vmem>>) target(%dma_start3A_35 : memref<80x128xf32, #tpu.memory_space<hbm>>) target_semaphore(%run_scoped3A : memref<!tpu.dma_semaphore, #tpu.memory_space<semaphore_mem>>)
        %dma_wait3A_36 = arith.constant 0 : i32
        %dma_wait3A_37 = tpu.memref_slice %arg7[%add3A_21, %dma_wait3A_36] : memref<320000x128xf32, #tpu.memory_space<hbm>> -> memref<80x128xf32, #tpu.memory_space<hbm>>
        %dma_wait3A_38 = arith.constant 0 : i32
        %dma_wait3A_39 = tpu.memref_slice %arg7[%add3A_21, %dma_wait3A_38] : memref<320000x128xf32, #tpu.memory_space<hbm>> -> memref<80x128xf32, #tpu.memory_space<hbm>>
        tpu.wait_dma2 semaphore(%run_scoped3A : memref<!tpu.dma_semaphore, #tpu.memory_space<semaphore_mem>>) src(%arg11 : memref<80x128xf32, #tpu.memory_space<vmem>>) dst(%dma_wait3A_39 : memref<80x128xf32, #tpu.memory_space<hbm>>)
        tpu.yield
      }) : () -> ()
      "tpu.region"() ({
        %run_scoped3A = tpu.sem_alloc : memref<!tpu.dma_semaphore, #tpu.memory_space<semaphore_mem>>
        %dma_start3A_32 = arith.constant 0 : i32
        %dma_start3A_33 = tpu.memref_slice %arg8[%add3A_21, %dma_start3A_32] : memref<320000x128xf32, #tpu.memory_space<hbm>> -> memref<80x128xf32, #tpu.memory_space<hbm>>
        %dma_start3A_34 = arith.constant 0 : i32
        %dma_start3A_35 = tpu.memref_slice %arg8[%add3A_21, %dma_start3A_34] : memref<320000x128xf32, #tpu.memory_space<hbm>> -> memref<80x128xf32, #tpu.memory_space<hbm>>
        tpu.enqueue_dma source(%arg12 : memref<80x128xf32, #tpu.memory_space<vmem>>) target(%dma_start3A_35 : memref<80x128xf32, #tpu.memory_space<hbm>>) target_semaphore(%run_scoped3A : memref<!tpu.dma_semaphore, #tpu.memory_space<semaphore_mem>>)
        %dma_wait3A_36 = arith.constant 0 : i32
        %dma_wait3A_37 = tpu.memref_slice %arg8[%add3A_21, %dma_wait3A_36] : memref<320000x128xf32, #tpu.memory_space<hbm>> -> memref<80x128xf32, #tpu.memory_space<hbm>>
        %dma_wait3A_38 = arith.constant 0 : i32
        %dma_wait3A_39 = tpu.memref_slice %arg8[%add3A_21, %dma_wait3A_38] : memref<320000x128xf32, #tpu.memory_space<hbm>> -> memref<80x128xf32, #tpu.memory_space<hbm>>
        tpu.wait_dma2 semaphore(%run_scoped3A : memref<!tpu.dma_semaphore, #tpu.memory_space<semaphore_mem>>) src(%arg12 : memref<80x128xf32, #tpu.memory_space<vmem>>) dst(%dma_wait3A_39 : memref<80x128xf32, #tpu.memory_space<hbm>>)
        tpu.yield
      }) : () -> ()
    }
    %scan3A_9 = arith.constant 125 : i32
    %barrier3A_10 = arith.constant 0 : index
    tpu.barrier barrier_id(%barrier3A_10)
    %mul3A_11 = arith.constant 632 : i32
    %mul3A_12 = arith.muli %arg1, %mul3A_11 : i32
    %mul3A_13 = arith.constant 10112 : i32
    %mul3A_14 = arith.muli %arg0, %mul3A_13 : i32
    %mul3A_15 = arith.constant 632 : i32
    %mul3A_16 = arith.muli %arg1, %mul3A_15 : i32
    %add3A_17 = arith.addi %mul3A_14, %mul3A_16 : i32
    "tpu.region"() ({
      %run_scoped3A = tpu.sem_alloc : memref<!tpu.dma_semaphore, #tpu.memory_space<semaphore_mem>>
      %dma_start3A = arith.constant 0 : i32
      %dma_start3A_18 = tpu.memref_slice %arg6[%add3A_17, %dma_start3A] : memref<20224x128xf32, #tpu.memory_space<hbm>> -> memref<632x128xf32, #tpu.memory_space<hbm>>
      %dma_start3A_19 = arith.constant 0 : i32
      %dma_start3A_20 = tpu.memref_slice %arg13[%mul3A_12, %dma_start3A_19] : memref<10112x128xf32, #tpu.memory_space<vmem_shared>> -> memref<632x128xf32, #tpu.memory_space<vmem_shared>>
      tpu.enqueue_dma source(%dma_start3A_20 : memref<632x128xf32, #tpu.memory_space<vmem_shared>>) target(%dma_start3A_18 : memref<632x128xf32, #tpu.memory_space<hbm>>) target_semaphore(%run_scoped3A : memref<!tpu.dma_semaphore, #tpu.memory_space<semaphore_mem>>)
      %dma_wait3A = arith.constant 0 : i32
      %dma_wait3A_21 = tpu.memref_slice %arg6[%add3A_17, %dma_wait3A] : memref<20224x128xf32, #tpu.memory_space<hbm>> -> memref<632x128xf32, #tpu.memory_space<hbm>>
      %dma_wait3A_22 = arith.constant 0 : i32
      %dma_wait3A_23 = tpu.memref_slice %arg13[%mul3A_12, %dma_wait3A_22] : memref<10112x128xf32, #tpu.memory_space<vmem_shared>> -> memref<632x128xf32, #tpu.memory_space<vmem_shared>>
      tpu.wait_dma2 semaphore(%run_scoped3A : memref<!tpu.dma_semaphore, #tpu.memory_space<semaphore_mem>>) src(%dma_wait3A_23 : memref<632x128xf32, #tpu.memory_space<vmem_shared>>) dst(%dma_wait3A_21 : memref<632x128xf32, #tpu.memory_space<hbm>>)
      tpu.yield
    }) : () -> ()
    return
  }
}

module attributes {stable_mosaic.version = 14 : i64} {
  func.func @_edge_kernel(%arg0: i32, %arg1: memref<3200x128xf32, #tpu.memory_space<vmem>>, %arg2: memref<3200x128xf32, #tpu.memory_space<vmem>>, %arg3: memref<3200x128xf32, #tpu.memory_space<vmem>>, %arg4: memref<3200x128xf32, #tpu.memory_space<vmem>>, %arg5: memref<3200x1xf32, #tpu.memory_space<vmem>>, %arg6: memref<1x64xf32, #tpu.memory_space<vmem>>, %arg7: memref<64x32xf32, #tpu.memory_space<vmem>>, %arg8: memref<1x32xf32, #tpu.memory_space<vmem>>, %arg9: memref<1x32xf32, #tpu.memory_space<vmem>>, %arg10: memref<1x32xf32, #tpu.memory_space<vmem>>, %arg11: memref<1x2xf32, #tpu.memory_space<vmem>>, %arg12: memref<3200x1xf32, #tpu.memory_space<vmem>>) attributes {dimension_semantics = [#tpu.dimension_semantics<arbitrary>], iteration_bounds = array<i64: 100>, scalar_prefetch = 0 : i64, scratch_operands = 0 : i64, tpu.core_type = #tpu.core_type<tc>, window_params = [{transform_indices = @transform_0, window_bounds = array<i64: 3200, 128>}, {transform_indices = @transform_1, window_bounds = array<i64: 3200, 128>}, {transform_indices = @transform_2, window_bounds = array<i64: 3200, 128>}, {transform_indices = @transform_3, window_bounds = array<i64: 3200, 128>}, {transform_indices = @transform_4, window_bounds = array<i64: 3200, 1>}, {pipeline_mode = #tpu.pipeline_mode<synchronous>, transform_indices = @transform_5, window_bounds = array<i64: 1, 64>}, {pipeline_mode = #tpu.pipeline_mode<synchronous>, transform_indices = @transform_6, window_bounds = array<i64: 64, 32>}, {pipeline_mode = #tpu.pipeline_mode<synchronous>, transform_indices = @transform_7, window_bounds = array<i64: 1, 32>}, {pipeline_mode = #tpu.pipeline_mode<synchronous>, transform_indices = @transform_8, window_bounds = array<i64: 1, 32>}, {pipeline_mode = #tpu.pipeline_mode<synchronous>, transform_indices = @transform_9, window_bounds = array<i64: 1, 32>}, {pipeline_mode = #tpu.pipeline_mode<synchronous>, transform_indices = @transform_10, window_bounds = array<i64: 1, 2>}, {transform_indices = @transform_11, window_bounds = array<i64: 3200, 1>}]} {
    %get3A = arith.constant 0 : index
    %get3A_0 = arith.constant 0 : index
    %get3A_1 = vector.load %arg1[%get3A, %get3A_0] : memref<3200x128xf32, #tpu.memory_space<vmem>>, vector<3200x64xf32>
    %get3A_2 = arith.constant 0 : index
    %get3A_3 = arith.constant 64 : index
    %get3A_4 = vector.load %arg2[%get3A_2, %get3A_3] : memref<3200x128xf32, #tpu.memory_space<vmem>>, vector<3200x64xf32>
    %add3A = arith.addf %get3A_1, %get3A_4 : vector<3200x64xf32>
    %get3A_5 = arith.constant 0 : index
    %get3A_6 = arith.constant 0 : index
    %get3A_7 = vector.load %arg6[%get3A_5, %get3A_6] : memref<1x64xf32, #tpu.memory_space<vmem>>, vector<1x64xf32>
    %add3A_8 = vector.broadcast %get3A_7 : vector<1x64xf32> to vector<3200x64xf32>
    %add3A_9 = arith.addf %add3A, %add3A_8 : vector<3200x64xf32>
    %max3A = arith.constant 0.000000e+00 : f32
    %max3A_10 = vector.broadcast %max3A : f32 to vector<3200x64xf32>
    %max3A_11 = arith.maximumf %add3A_9, %max3A_10 : vector<3200x64xf32>
    %get3A_12 = arith.constant 0 : index
    %get3A_13 = arith.constant 0 : index
    %get3A_14 = vector.load %arg7[%get3A_12, %get3A_13] : memref<64x32xf32, #tpu.memory_space<vmem>>, vector<64x32xf32>
    %dot_general3A = arith.constant dense<0.000000e+00> : vector<3200x32xf32>
    %dot_general3A_15 = tpu.matmul %max3A_11, %get3A_14, %dot_general3A {dimension_numbers = #tpu.dot_dimension_numbers<[1], [0], [0], [1], [0, 0, 1, 1], [], []>, transpose_lhs_hint = false} : vector<3200x64xf32>, vector<64x32xf32>, vector<3200x32xf32> -> vector<3200x32xf32>
    %get3A_16 = arith.constant 0 : index
    %get3A_17 = arith.constant 0 : index
    %get3A_18 = vector.load %arg8[%get3A_16, %get3A_17] : memref<1x32xf32, #tpu.memory_space<vmem>>, vector<1x32xf32>
    %add3A_19 = vector.broadcast %get3A_18 : vector<1x32xf32> to vector<3200x32xf32>
    %add3A_20 = arith.addf %dot_general3A_15, %add3A_19 : vector<3200x32xf32>
    %get3A_21 = arith.constant 0 : index
    %get3A_22 = arith.constant 64 : index
    %get3A_23 = vector.load %arg3[%get3A_21, %get3A_22] : memref<3200x128xf32, #tpu.memory_space<vmem>>, vector<3200x32xf32>
    %get3A_24 = arith.constant 0 : index
    %get3A_25 = arith.constant 96 : index
    %get3A_26 = vector.load %arg4[%get3A_24, %get3A_25] : memref<3200x128xf32, #tpu.memory_space<vmem>>, vector<3200x32xf32>
    %add3A_27 = arith.addf %get3A_23, %get3A_26 : vector<3200x32xf32>
    %get3A_28 = arith.constant 0 : index
    %get3A_29 = arith.constant 0 : index
    %get3A_30 = vector.load %arg9[%get3A_28, %get3A_29] : memref<1x32xf32, #tpu.memory_space<vmem>>, vector<1x32xf32>
    %add3A_31 = vector.broadcast %get3A_30 : vector<1x32xf32> to vector<3200x32xf32>
    %add3A_32 = arith.addf %add3A_27, %add3A_31 : vector<3200x32xf32>
    %max3A_33 = arith.constant 0.000000e+00 : f32
    %max3A_34 = vector.broadcast %max3A_33 : f32 to vector<3200x32xf32>
    %max3A_35 = arith.maximumf %add3A_32, %max3A_34 : vector<3200x32xf32>
    %add3A_36 = arith.addf %add3A_20, %max3A_35 : vector<3200x32xf32>
    %logistic3A = arith.negf %add3A_36 : vector<3200x32xf32>
    %logistic3A_37 = math.exp %logistic3A : vector<3200x32xf32>
    %logistic3A_38 = arith.constant 1.000000e+00 : f32
    %logistic3A_39 = vector.broadcast %logistic3A_38 : f32 to vector<3200x32xf32>
    %logistic3A_40 = arith.addf %logistic3A_39, %logistic3A_37 : vector<3200x32xf32>
    %logistic3A_41 = arith.divf %logistic3A_39, %logistic3A_40 : vector<3200x32xf32>
    %get3A_42 = arith.constant 0 : index
    %get3A_43 = arith.constant 0 : index
    %get3A_44 = vector.load %arg10[%get3A_42, %get3A_43] : memref<1x32xf32, #tpu.memory_space<vmem>>, vector<1x32xf32>
    %mul3A = vector.broadcast %get3A_44 : vector<1x32xf32> to vector<3200x32xf32>
    %mul3A_45 = arith.mulf %logistic3A_41, %mul3A : vector<3200x32xf32>
    %reduce_sum3A = arith.constant dense<0.000000e+00> : vector<3200xf32>
    %reduce_sum3A_46 = vector.multi_reduction <add>, %mul3A_45, %reduce_sum3A [1] : vector<3200x32xf32> to vector<3200xf32>
    %broadcast_in_dim3A = vector.shape_cast %reduce_sum3A_46 : vector<3200xf32> to vector<3200x1xf32>
    %get3A_47 = arith.constant 0 : index
    %get3A_48 = arith.constant 0 : index
    %get3A_49 = vector.load %arg5[%get3A_47, %get3A_48] : memref<3200x1xf32, #tpu.memory_space<vmem>>, vector<3200x1xf32>
    %get3A_50 = arith.constant 0 : index
    %get3A_51 = arith.constant 0 : index
    %get3A_52 = vector.load %arg11[%get3A_50, %get3A_51] : memref<1x2xf32, #tpu.memory_space<vmem>>, vector<1x1xf32>
    %get3A_53 = vector.extract %get3A_52[0, 0] : f32 from vector<1x1xf32>
    %add3A_54 = vector.broadcast %get3A_53 : f32 to vector<3200x1xf32>
    %add3A_55 = arith.addf %get3A_49, %add3A_54 : vector<3200x1xf32>
    %max3A_56 = arith.constant 0.000000e+00 : f32
    %max3A_57 = vector.broadcast %max3A_56 : f32 to vector<3200x1xf32>
    %max3A_58 = arith.maximumf %add3A_55, %max3A_57 : vector<3200x1xf32>
    %get3A_59 = arith.constant 0 : index
    %get3A_60 = arith.constant 1 : index
    %get3A_61 = vector.load %arg11[%get3A_59, %get3A_60] : memref<1x2xf32, #tpu.memory_space<vmem>>, vector<1x1xf32>
    %get3A_62 = vector.extract %get3A_61[0, 0] : f32 from vector<1x1xf32>
    %add3A_63 = vector.broadcast %get3A_62 : f32 to vector<3200x1xf32>
    %add3A_64 = arith.addf %broadcast_in_dim3A, %add3A_63 : vector<3200x1xf32>
    %add3A_65 = arith.addf %add3A_64, %max3A_58 : vector<3200x1xf32>
    %logistic3A_66 = arith.negf %add3A_65 : vector<3200x1xf32>
    %logistic3A_67 = math.exp %logistic3A_66 : vector<3200x1xf32>
    %logistic3A_68 = arith.constant 1.000000e+00 : f32
    %logistic3A_69 = vector.broadcast %logistic3A_68 : f32 to vector<3200x1xf32>
    %logistic3A_70 = arith.addf %logistic3A_69, %logistic3A_67 : vector<3200x1xf32>
    %logistic3A_71 = arith.divf %logistic3A_69, %logistic3A_70 : vector<3200x1xf32>
    %swap3A = arith.constant 0 : index
    %swap3A_72 = arith.constant 0 : index
    %swap3A_73 = vector.load %arg12[%swap3A, %swap3A_72] : memref<3200x1xf32, #tpu.memory_space<vmem>>, vector<3200x1xf32>
    tpu.vector_store %arg12[%swap3A, %swap3A_72], %logistic3A_71 {strides = array<i32>} : memref<3200x1xf32, #tpu.memory_space<vmem>>, vector<3200x1xf32>,
    return
  }
  func.func @transform_0(%arg0: i32) -> (i32, i32) {
    %c0_i32 = arith.constant 0 : i32
    %c0_i32_0 = arith.constant 0 : i32
    return %arg0, %c0_i32 : i32, i32
  }
  func.func @transform_1(%arg0: i32) -> (i32, i32) {
    %c0_i32 = arith.constant 0 : i32
    %c0_i32_0 = arith.constant 0 : i32
    return %arg0, %c0_i32 : i32, i32
  }
  func.func @transform_2(%arg0: i32) -> (i32, i32) {
    %c0_i32 = arith.constant 0 : i32
    %c0_i32_0 = arith.constant 0 : i32
    return %arg0, %c0_i32 : i32, i32
  }
  func.func @transform_3(%arg0: i32) -> (i32, i32) {
    %c0_i32 = arith.constant 0 : i32
    %c0_i32_0 = arith.constant 0 : i32
    return %arg0, %c0_i32 : i32, i32
  }
  func.func @transform_4(%arg0: i32) -> (i32, i32) {
    %c0_i32 = arith.constant 0 : i32
    %c0_i32_0 = arith.constant 0 : i32
    return %arg0, %c0_i32 : i32, i32
  }
  func.func @transform_5(%arg0: i32) -> (i32, i32) {
    %c0_i32 = arith.constant 0 : i32
    %c0_i32_0 = arith.constant 0 : i32
    %c0_i32_1 = arith.constant 0 : i32
    return %c0_i32, %c0_i32_0 : i32, i32
  }
  func.func @transform_6(%arg0: i32) -> (i32, i32) {
    %c0_i32 = arith.constant 0 : i32
    %c0_i32_0 = arith.constant 0 : i32
    %c0_i32_1 = arith.constant 0 : i32
    return %c0_i32, %c0_i32_0 : i32, i32
  }
  func.func @transform_7(%arg0: i32) -> (i32, i32) {
    %c0_i32 = arith.constant 0 : i32
    %c0_i32_0 = arith.constant 0 : i32
    %c0_i32_1 = arith.constant 0 : i32
    return %c0_i32, %c0_i32_0 : i32, i32
  }
  func.func @transform_8(%arg0: i32) -> (i32, i32) {
    %c0_i32 = arith.constant 0 : i32
    %c0_i32_0 = arith.constant 0 : i32
    %c0_i32_1 = arith.constant 0 : i32
    return %c0_i32, %c0_i32_0 : i32, i32
  }
  func.func @transform_9(%arg0: i32) -> (i32, i32) {
    %c0_i32 = arith.constant 0 : i32
    %c0_i32_0 = arith.constant 0 : i32
    %c0_i32_1 = arith.constant 0 : i32
    return %c0_i32, %c0_i32_0 : i32, i32
  }
  func.func @transform_10(%arg0: i32) -> (i32, i32) {
    %c0_i32 = arith.constant 0 : i32
    %c0_i32_0 = arith.constant 0 : i32
    %c0_i32_1 = arith.constant 0 : i32
    return %c0_i32, %c0_i32_0 : i32, i32
  }
  func.func @transform_11(%arg0: i32) -> (i32, i32) {
    %c0_i32 = arith.constant 0 : i32
    %c0_i32_0 = arith.constant 0 : i32
    return %arg0, %c0_i32 : i32, i32
  }
}

</mosaic_0001>

<sc_bundles>
// kernel: kernel.10.cloned.1.call-start
scs
__scs_entry_jumppad:
0x0: {  	(pc) =	sbr.rel $0x88, $3  }
0x1: {  	(tag) =	ssettag $0x0;
	lr =	simm.s32 $0x1  }
0x2: {  	[smem:$0x3F8C] =	sst lr;
	_ =	strace $0xD0000000  }
0x3: {  	_ = 	snop  }
0x4: {  	_ = 	snop  }
0x5: {  	_ = 	snop  }
0x6: {  	_ = 	snop  }
0x7: {  	_ = 	snop  }
__scs_overlays_trampoline_lowered:
0x8: {  	[smem:$0x3F9B] =	sst s0  }
0x9: {  	[smem:$0x3F9C] =	sst s1  }
0xa: {  	[smem:$0x3F9D] =	sst s2  }
0xb: {  	[smem:$0x3F9E] =	sst s3  }
0xc: {  	[smem:$0x3F9F] =	sst s4  }
0xd: {  	[smem:$0x3FA0] =	sst s5  }
0xe: {  	[smem:$0x3FA1] =	sst s6  }
0xf: {  	[smem:$0x3FA2] =	sst s7  }
0x10: {  	[smem:$0x3FA3] =	sst s8  }
0x11: {  	[smem:$0x3FA4] =	sst s9;
	s0 =	simm.s32 @!p0 $0x0  }
0x12: {  	s1 =	sld [smem:$0x3F8A];
	s0 =	simm.s32 @p0 $0x1  }
0x13: {  	[smem:$0x3FA5] =	sst s0;
	s0 =	simm.s32 @!p1 $0x0  }
0x14: {  	s2 =	sld [smem:$0x3F89];
	s0 =	simm.s32 @p1 $0x1  }
0x15: {  	[smem:$0x3FA6] =	sst s0;
	s0 =	simm.s32 @!p2 $0x0  }
0x16: {  	s3 =	sld [smem:$0x3FDB];
	s0 =	simm.s32 @p2 $0x1  }
0x17: {  	s4 =	simm.s32 $0x1BF5;
	[smem:$0x3FA8] =	sst s0  }
0x18: {  	s0 =	sld [smem:$0x3F8B];
	_ =	swait.ge [sflag:s4], $0x0  }
0x19: {  	s7 =	sld [smem:$0x3F8C]  }
0x1a: {  	s8 =	sadd.s32 $0xFFFFE003, lr  }
0x1b: {  	s9 =	sadd.s32 $0xFFFFFEF7, lr;
	s5 =	simm.s32 $0xFFFFFFFF;
	p2 =	slt.u32 s8, $0xFFFFF086  }
0x1c: {  	p1 =	slt.u32 s9, $0xF7A;
	s5 =	simm.s32 @!p2 $0x0  }
0x1d: {  	s5 =	simm.s32 @p1 $0x1;
	p0 =	seq.s32 s7, s2  }
0x1e: {  	s7 =	smul.u32 @!p0 $0xF7A, s2;
	p2 =	seq.s32 @!p0 s5, $0x0  }
0x1f: {  	s9 =	smul.u32 $0xF7A, s1;
	s8 =	simm.s32 @!p0 $0x1BF5;
	p2 =	por !p2, p0  }
0x20: {  	[sflag:s8] =	ssyncset.s32 @!p0 $0xFFFFF086;
	s6 =	sadd.s32 @!p0 s3, s7;
	s7 =	simm.s32 @!p0 $0x108  }
0x21: {  	s3 =	sadd.s32 s3, s9;
	s6 =	sadd.s32 @!p0 $0x88, s6;
	s7 =	simm.s32 @p2 $0x1082  }
0x22: {  	[simem:s7], [sflag:s8] =	dma.local @!p0 [hbm:s6], $0xF7A  }
0x23: {  	s9 =	sor.u32 $0xD0000000, s2;
	s6 =	simm.s32 $0x108;
	_ =	swait.ge @!p0 [sflag:s8], $0x0  }
0x24: {  	s3 =	sadd.s32 $0x88, s3;
	s6 =	simm.s32 @!p1 $0x1082;
	[sflag:s4] =	ssyncset.s32 $0xFFFFF086  }
0x25: {  	[simem:s6], [sflag:s4] =	dma.local [hbm:s3], $0xF7A  }
0x26: {  	[smem:$0x3F8C] =	sst s1;
	(tag) =	ssettag s2;
	_ =	strace s9  }
0x27: {  	s1 =	sld [smem:$0x3F9C]  }
0x28: {  	s2 =	sld [smem:$0x3F9D]  }
0x29: {  	s4 =	sld [smem:$0x3F9F]  }
0x2a: {  	p0 =	seq.s32 s5, $0x0;
	s5 =	sld [smem:$0x3FA0]  }
0x2b: {  	s6 =	sld [smem:$0x3FA1]  }
0x2c: {  	s7 =	sld [smem:$0x3FA2]  }
0x2d: {  	s3 =	simm.s32 $0x108;
	s8 =	sld [smem:$0x3FA3]  }
0x2e: {  	s3 =	simm.s32 @!p0 $0x1082;
	s9 =	sld [smem:$0x3FA4]  }
0x2f: {  	lr =	sadd.s32 s0, s3;
	s0 =	sld [smem:$0x3F9B]  }
0x30: {  	s3 =	sld [smem:$0x3F9E]  }
0x31: {  	[smem:$0x3FA7] =	sst s10  }
0x32: {  	s10 =	sld [smem:$0x3FA5];
	_ =	sdelay $0x3  }
0x33: {  	p0 =	seq.s32 s10, $0x1;
	s10 =	sld [smem:$0x3FA7];
	_ =	sdelay $0x3  }
0x34: {  	[smem:$0x3FA7] =	sst s10  }
0x35: {  	s10 =	sld [smem:$0x3FA6];
	_ =	sdelay $0x3  }
0x36: {  	p1 =	seq.s32 s10, $0x1;
	s10 =	sld [smem:$0x3FA7];
	_ =	sdelay $0x3  }
0x37: {  	[smem:$0x3FA7] =	sst s10  }
0x38: {  	s10 =	sld [smem:$0x3FA8]  }
0x39: {  	_ = 	snop;
	(pc) =	sbr.ind lr, $3  }
0x3a: {  	_ = 	snop  }
0x3b: {  	_ = 	snop  }
0x3c: {  	p2 =	seq.s32 s10, $0x1;
	s10 =	sld [smem:$0x3FA7]  }
0x3d: {  	_ =	shalt  }
0x3e: {  	_ =	shalt  }
0x3f: {  	_ =	shalt  }
0x40: {  	_ =	shalt  }
0x41: {  	_ =	shalt  }
0x42: {  	_ =	shalt  }
0x43: {  	_ =	shalt  }
0x44: {  	_ =	shalt  }
0x45: {  	_ =	shalt  }
0x46: {  	_ =	shalt  }
0x47: {  	_ =	shalt  }
0x48: {  	_ =	shalt  }
0x49: {  	_ =	shalt  }
0x4a: {  	_ =	shalt  }
0x4b: {  	_ =	shalt  }
0x4c: {  	_ =	shalt  }
0x4d: {  	_ =	shalt  }
0x4e: {  	_ =	shalt  }
0x4f: {  	_ =	shalt  }
0x50: {  	_ =	shalt  }
0x51: {  	_ =	shalt  }
0x52: {  	_ =	shalt  }
0x53: {  	_ =	shalt  }
0x54: {  	_ =	shalt  }
0x55: {  	_ =	shalt  }
0x56: {  	_ =	shalt  }
0x57: {  	_ =	shalt  }
0x58: {  	_ =	shalt  }
0x59: {  	_ =	shalt  }
0x5a: {  	_ =	shalt  }
0x5b: {  	_ =	shalt  }
0x5c: {  	_ =	shalt  }
0x5d: {  	_ =	shalt  }
0x5e: {  	_ =	shalt  }
0x5f: {  	_ =	shalt  }
0x60: {  	_ =	shalt  }
0x61: {  	_ =	shalt  }
0x62: {  	_ =	shalt  }
0x63: {  	_ =	shalt  }
0x64: {  	_ =	shalt  }
0x65: {  	_ =	shalt  }
0x66: {  	_ =	shalt  }
0x67: {  	_ =	shalt  }
0x68: {  	_ =	shalt  }
0x69: {  	_ =	shalt  }
0x6a: {  	_ =	shalt  }
0x6b: {  	_ =	shalt  }
0x6c: {  	_ =	shalt  }
0x6d: {  	_ =	shalt  }
0x6e: {  	_ =	shalt  }
0x6f: {  	_ =	shalt  }
0x70: {  	_ =	shalt  }
0x71: {  	_ =	shalt  }
0x72: {  	_ =	shalt  }
0x73: {  	_ =	shalt  }
0x74: {  	_ =	shalt  }
0x75: {  	_ =	shalt  }
0x76: {  	_ =	shalt  }
0x77: {  	_ =	shalt  }
0x78: {  	_ =	shalt  }
0x79: {  	_ =	shalt  }
0x7a: {  	_ =	shalt  }
0x7b: {  	_ =	shalt  }
0x7c: {  	_ =	shalt  }
0x7d: {  	_ =	shalt  }
0x7e: {  	_ =	shalt  }
0x7f: {  	_ =	shalt  }
0x80: {  	_ =	shalt  }
0x81: {  	_ =	shalt  }
0x82: {  	_ =	shalt  }
0x83: {  	_ =	shalt  }
0x84: {  	_ =	shalt  }
0x85: {  	_ =	shalt  }
0x86: {  	_ =	shalt  }
0x87: {  	_ =	shalt  }
.Lfunc_end0:
.L_simem_size_0:
called_computation.1_lowered:
.L_overlay_start_0:
0x88: {  	s2 =	sld [smem:$0x3FD9]  }
0x89: {  	s3 =	sld [smem:$0x3FFE];
	_ =	sdelay $0x1  }
0x8a: {  	s1 =	srdreg.scid  }
0x8b: {  	s0 =	sand.u32 $0x1, s1  }
0x8c: {  	s16 =	sshll.u32 s0, $0xA;
	s2 =	sadd.s32 s3, s2  }
0x8d: {  	s2 =	sadd.s32 s2, s16  }
0x8e: {  	[smem:$0x3FB3] =	sst s2  }
0x8f: {  	_ = 	snop  }
0x90: {  	(tm) =	ssettm $0x1  }
0x91: {  	s17 =	sld [smem:$0x3FFB];
	_ =	sdelay $0x3  }
0x92: {  	_ =	strace s17  }
0x93: {  	s2 =	sld [smem:$0x3FFC];
	_ =	sdelay $0x3  }
0x94: {  	_ =	strace s2  }
0x95: {  	s2 =	sld [smem:$0x3FFD];
	_ =	sdelay $0x3  }
0x96: {  	_ =	strace s2  }
0x97: {  	_ =	strace $0x8FFFFFFF  }
0x98: {  	s18 =	sld [smem:$0x3FDB];
	_ =	sdelay $0x1  }
0x99: {  	s19 =	simm.s32 $_scs_section_size  }
0x9a: {  	s4 =	simm.s32 $_size__tile_overlayer_lowered;
	s5 =	simm.s32 $_tile_overlayer_lowered  }
0x9b: {  	s22 =	simm.s32 $0x1BFF;
	s21 =	sshll.u32 s5, $0x1;
	s2 =	sadd.s32 s19, s18  }
0x9c: {  	s6 =	simm.s32 $0x0;
	s20 =	sshll.u32 s4, $0x1;
	s4 =	sadd.s32 s21, s2  }
0x9d: {  	[timem:s6], [sflag:s22] =	dma.local [hbm:s4], s20  }
0x9e: {  	_ =	swait.ge [sflag:s22], s20  }
0x9f: {  	s3 =	ssub.s32 $0x0, s20;
	[sflag:s22] =	ssyncset.done $0x0  }
0xa0: {  	[sflag:s22] =	ssyncadd.s32 s3;
	_ =	sdelay $0x1  }
0xa1: {  	s23 =	simm.s32 $0x1B8B  }
0xa2: {  	_ =	swait.ge [sflag:s23], $0x1  }
0xa3: {  	[sflag:s23] =	ssyncset.done $0x0  }
0xa4: {  	s25 =	simm.s32 $0x1B8E;
	s24 =	sld [smem:$0x3FFE];
	[sflag:s23] =	ssyncadd.s32 $0xFFFFFFFF  }
0xa5: {  	s26 =	simm.s32 $execute0_lowered;
	[smem:$0x3FD2] =	sst s25  }
0xa6: {  	s4 =	sshll.u32 s26, $0x1;
	_ =	strace $0x80000049;
	[dreg:$0x1] =	wrdreg $0xFFFFFFFF  }
0xa7: {  	s28 =	simm.s32 $_size_execute0_lowered;
	s2 =	sadd.s32 s2, s4;
	[dreg:$0x0] =	wrdreg $0x0  }
0xa8: {  	s4 =	sshll.u32 s28, $0x1;
	[dreg:$0x2] =	wrdreg s2  }
0xa9: {  	[dreg:$0x3] =	wrdreg s4  }
0xaa: {  	[dreg:$0x4] =	wrdreg $0xC0  }
0xab: {  	_ =	task [dreg:s6], $0x5FFFF  }
0xac: {  	[dreg:$0x1] =	wrdreg $0xFFFFFFFF  }
0xad: {  	[dreg:$0x0] =	wrdreg $0x60  }
0xae: {  	[dreg:$0x2] =	wrdreg s24  }
0xaf: {  	[dreg:$0x3] =	wrdreg $0x79000  }
0xb0: {  	[dreg:$0x4] =	wrdreg $0x9  }
0xb1: {  	_ =	task.clear_ibuf [dreg:s6], $0x5FFFF;
	_ =	strace $0x90000049  }
0xb2: {  	s29 =	simm.s32 $0x9;
	_ =	strace $0x8000004B  }
0xb3: {  	_ =	swait.ge [sflag:s29], $0x1  }
0xb4: {  	[sflag:s29] =	ssyncadd.s32 $0xFFFFFFFF  }
0xb5: {  	_ =	strace $0x9000004B  }
0xb6: {  	_ =	sfence  }
0xb7: {  	s30 =	sld [smem:$0x0];
	_ =	sdelay $0x2  }
0xb8: {  	s31 =	sshll.u32 s1, $0xD;
	s1 =	sshrl.u32 s1, $0x2  }
0xb9: {  	s3 =	sand.u32 $0x4000, s31;
	s1 =	sadd.s32 s1, s30  }
0xba: {  	s0 =	sor.u32 s3, s0;
	s1 =	sshll.u32 s1, $0x11  }
0xbb: {  	s0 =	sor.u32 s1, s0  }
0xbc: {  	s0 =	sadd.s32 $0x8F2B, s0  }
0xbd: {  	[sflag:s0] =	ssyncadd.remote.s32 $0x1  }
0xbe: {  	_ =	sfence.sel $0xFFFF  }
0xbf: {  	[dreg:$0x0] =	wrdreg $0xFFFFFFFF;
	(pc) =	sbr.abs _section_cstart, $3  }
0xc0: {  	[dreg:$0x1] =	wrdreg $0xFFFFFFFF  }
0xc1: {  	_ =	task.clear_ibuf [dreg:s6], $0x2FFFF;
	_ =	strace $0x9FFFFFFF  }
0xc2: {  	(tm) =	ssettm $0x7FFFFFFF  }
0xc3: {  	_ =	shalt  }
tec
execute0_lowered:
.L_overlay_start_1:
0x0: {  	(tag) =	ssettag $0x1  }
0x1: {  	s6 =	rddreg [dreg:$0x0]  }
0x2: {  	s2 =	rddreg [dreg:$0x1]  }
0x3: {  	s0 =	rddreg [dreg:$0x2]  }
0x4: {  	s3 =	simm.s32 $0x0;
	s4 =	srdreg.scid;
	s1 =	stileid.u32  }
0x5: {  	s16 =	simm.s32 $0x80;
	s17 =	simm.s32 $0x50;
	s18 =	simm.s32 $0x100  }
0x6: {  	s19 =	simm.s32 $0x2900;
	s20 =	simm.s32 $0x5100;
	s21 =	simm.s32 $0x1  }
0x7: {  	s22 =	simm.s32 $0x0;
	[smem:$0x7FF] =	sst s3;
	s8 =	smul.u32 $0x2780, s1  }
0x8: {  	s7 =	sand.u32 $0x1, s4;
	s4 =	sadd.s32 $0x37400, s6;
	s12 =	smul.u32 $0x4F000, s1  }
0x9: {  	s5 =	sadd.s32 $0x86400, s6;
	s29 =	sshll.u32 s1, $0x6;
	s15 =	smul.u32 $0x27100, s1  }
0xa: {  	s30 =	sshll.u32 s1, $0xB;
	_ =	strace $0x8000004A;
	s9 =	smul.u32 $0x27800, s7  }
0xb: {  	s10 =	sshll.u32 s7, $0xF;
	s11 =	smul.u32 $0x271000, s7;
	s7 =	ssub.s32 $0x2, s7  }
0xc: {  	s10 =	sadd.s32 s10, s6;
	s28 =	sshrl.u32 s7, $0x1;
	s12 =	sshrl.u32 s12, $0x2  }
0xd: {  	s9 =	sadd.s32 s8, s9;
	s8 =	sadd.s32 s8, s6;
	s11 =	sadd.s32 s11, s6  }
0xe: {  	s13 =	ssub.s32 s7, s28;
	s14 =	sadd.s32 s12, s2;
	s7 =	sor.u32 $0x1C02, s29  }
0xf: {  	s12 =	sadd.s32 s30, s10;
	s9 =	sadd.s32 s9, s6;
	s6 =	sadd.s32 $0x5EC00, s8  }
0x10: {  	s10 =	sadd.s32 $0x27400, s12;
	s31 =	sadd.s32 s15, s11;
	s11 =	sadd.s32 $0x17400, s12  }
0x11: {  	s14 =	sshrl.u32 s14, $0x3;
	s15 =	simm.s32 $0x2;
	s8 =	sadd.s32 $0xADC00, s9  }
0x12: {  	s9 =	smax.u32 s13, $0x1;
	s12 =	sadd.s32 $0xFCC00, s31;
	s13 =	sadd.s32 $0x5DEC00, s31  }
.LBB2_1:
0x13: {  	[spmem:s14], [sflag:s7] =	dma.local [hbm:s6], $0x2780  }
0x14: {  	_ =	swait.ge [sflag:s15], $0x2780  }
0x15: {  	[sflag:s15] =	ssyncset.done $0x0  }
0x16: {  	[sflag:s15] =	ssyncadd.s32 $0xFFFFD880  }
0x17: {  	s23 =	sadd.s32 $0x0, s10;
	[bflag:$0x0] =	sbarrier.arrive $0xFFFF  }
0x18: {  	[tilespmem:s3], [sflag:$0x2] =	stream.linear.gather [hbm4b:s23+s3], $0x80, $0x38;
	[tilespmem:$0x1B500] =	vst v63  }
0x19: {  	_ =	swait.ge [sflag:s15], $0x80  }
0x1a: {  	[sflag:s15] =	ssyncset.done $0x0  }
0x1b: {  	s31 =	sadd.s32 $0x0, s11;
	[sflag:s15] =	ssyncadd.s32 $0xFFFFFF80  }
0x1c: {  	[tilespmem:s16], [sflag:$0x2] =	stream.linear.gather [hbm4b:s31+s3], $0x80, $0x38;
	[tilespmem:$0x1B500] =	vst v63  }
0x1d: {  	_ =	swait.ge [sflag:s15], $0x80  }
0x1e: {  	[sflag:s15] =	ssyncset.done $0x0  }
0x1f: {  	[sflag:s15] =	ssyncadd.s32 $0xFFFFFF80  }
0x20: {  	[tilespmem:s18], [sflag:$0x1] =	stream.indirect.gather [hbm4b:s4+s17], $0x80, s3, s17, $0xb8;
	[tilespmem:$0x1B500] =	vst v63  }
0x21: {  	_ = 	snop  }
0x22: {  	[tilespmem:s19], [sflag:$0x1] =	stream.indirect.gather [hbm4b:s5+s17], $0x80, s3, s17, $0xb8;
	[tilespmem:$0x1B500] =	vst v63  }
0x23: {  	_ = 	snop  }
0x24: {  	[tilespmem:s20], [sflag:$0x1] =	stream.indirect.gather [hbm4b:s5+s17], $0x80, s16, s17, $0xb8;
	[tilespmem:$0x1B500] =	vst v63  }
0x25: {  	_ =	swait.ge [sflag:s21], $0x2800  }
0x26: {  	[sflag:s21] =	ssyncset.done $0x0  }
0x27: {  	[sflag:s21] =	ssyncadd.s32 $0xFFFFD800  }
0x28: {  	_ =	swait.ge [sflag:s21], $0x2800  }
0x29: {  	[sflag:s21] =	ssyncset.done $0x0  }
0x2a: {  	[sflag:s21] =	ssyncadd.s32 $0xFFFFD800  }
0x2b: {  	_ =	swait.ge [sflag:s21], $0x2800  }
0x2c: {  	[sflag:s21] =	ssyncset.done $0x0  }
0x2d: {  	[sflag:s21] =	ssyncadd.s32 $0xFFFFD800  }
0x2e: {  	[spmem:s2] =	stream.indirect.scatter.add.f32 [tilespmem:s18], [sflag:$0x2], $0x80, s16, s17, $0xb8;
	[tilespmem:$0x1B500] =	vst v63  }
0x2f: {  	_ =	swait.ge [sflag:s15], $0x2800  }
0x30: {  	[sflag:s15] =	ssyncset.done $0x0  }
0x31: {  	[sflag:s15] =	ssyncadd.s32 $0xFFFFD800  }
0x32: {  	[hbm4b:s12+s3] =	stream.linear.scatter [tilespmem:s19], [sflag:$0x2], $0x2800, $0x38;
	[tilespmem:$0x1B500] =	vst v63  }
0x33: {  	_ =	swait.ge [sflag:s15], $0x2800  }
0x34: {  	[sflag:s15] =	ssyncset.done $0x0  }
0x35: {  	[sflag:s15] =	ssyncadd.s32 $0xFFFFD800  }
0x36: {  	[hbm4b:s13+s3] =	stream.linear.scatter [tilespmem:s20], [sflag:$0x2], $0x2800, $0x38;
	[tilespmem:$0x1B500] =	vst v63  }
0x37: {  	s25 =	simm.s32 $0x10;
	s28 =	simm.s32 $0x20;
	_ =	swait.ge [sflag:s15], $0x2800  }
0x38: {  	s24 =	sadd.s32 $0x500, s12;
	s23 =	sadd.s32 $0x500, s13;
	[sflag:s15] =	ssyncset.done $0x0  }
.LBB2_2:
0x39: {  	s29 =	sadd.s32 s25, s10  }
0x3a: {  	[sflag:s15] =	ssyncadd.s32 $0xFFFFD800;
	s30 =	smov.u32 s28;
	s26 =	sadd.s32 $0x10, s28  }
0x3b: {  	[tilespmem:s3], [sflag:$0x2] =	stream.linear.gather [hbm4b:s29+s3], $0x80, $0x38;
	[tilespmem:$0x1B500] =	vst v63  }
0x3c: {  	p0 =	sne.s32 s28, $0x7C0;
	_ =	swait.ge [sflag:s15], $0x80  }
0x3d: {  	[sflag:s15] =	ssyncset.done $0x0  }
0x3e: {  	s28 =	sadd.s32 s25, s11;
	s25 =	smov.u32 s30;
	[sflag:s15] =	ssyncadd.s32 $0xFFFFFF80  }
0x3f: {  	[tilespmem:s16], [sflag:$0x2] =	stream.linear.gather [hbm4b:s28+s3], $0x80, $0x38;
	[tilespmem:$0x1B500] =	vst v63  }
0x40: {  	_ =	swait.ge [sflag:s15], $0x80  }
0x41: {  	[sflag:s15] =	ssyncset.done $0x0  }
0x42: {  	[sflag:s15] =	ssyncadd.s32 $0xFFFFFF80  }
0x43: {  	[tilespmem:s18], [sflag:$0x1] =	stream.indirect.gather [hbm4b:s4+s17], $0x80, s3, s17, $0xb8;
	[tilespmem:$0x1B500] =	vst v63  }
0x44: {  	_ = 	snop  }
0x45: {  	[tilespmem:s19], [sflag:$0x1] =	stream.indirect.gather [hbm4b:s5+s17], $0x80, s3, s17, $0xb8;
	[tilespmem:$0x1B500] =	vst v63  }
0x46: {  	_ = 	snop  }
0x47: {  	[tilespmem:s20], [sflag:$0x1] =	stream.indirect.gather [hbm4b:s5+s17], $0x80, s16, s17, $0xb8;
	[tilespmem:$0x1B500] =	vst v63  }
0x48: {  	_ =	swait.ge [sflag:s21], $0x2800  }
0x49: {  	[sflag:s21] =	ssyncset.done $0x0  }
0x4a: {  	[sflag:s21] =	ssyncadd.s32 $0xFFFFD800  }
0x4b: {  	_ =	swait.ge [sflag:s21], $0x2800  }
0x4c: {  	[sflag:s21] =	ssyncset.done $0x0  }
0x4d: {  	[sflag:s21] =	ssyncadd.s32 $0xFFFFD800  }
0x4e: {  	_ =	swait.ge [sflag:s21], $0x2800  }
0x4f: {  	[sflag:s21] =	ssyncset.done $0x0  }
0x50: {  	[sflag:s21] =	ssyncadd.s32 $0xFFFFD800  }
0x51: {  	[spmem:s2] =	stream.indirect.scatter.add.f32 [tilespmem:s18], [sflag:$0x2], $0x80, s16, s17, $0xb8;
	[tilespmem:$0x1B500] =	vst v63  }
0x52: {  	_ =	swait.ge [sflag:s15], $0x2800  }
0x53: {  	[sflag:s15] =	ssyncset.done $0x0  }
0x54: {  	[sflag:s15] =	ssyncadd.s32 $0xFFFFD800  }
0x55: {  	[hbm4b:s24+s3] =	stream.linear.scatter [tilespmem:s19], [sflag:$0x2], $0x2800, $0x38;
	[tilespmem:$0x1B500] =	vst v63  }
0x56: {  	_ =	swait.ge [sflag:s15], $0x2800  }
.Ltmp0:
0x57: {  	[sflag:s15] =	ssyncset.done $0x0;
	(pc) =	sbr.rel @p0 .LBB2_2-.Ltmp0, $4  }
0x58: {  	[sflag:s15] =	ssyncadd.s32 $0xFFFFD800  }
0x59: {  	[hbm4b:s23+s3] =	stream.linear.scatter [tilespmem:s20], [sflag:$0x2], $0x2800, $0x38;
	[tilespmem:$0x1B500] =	vst v63  }
0x5a: {  	s28 =	smov.u32 s26;
	_ =	swait.ge [sflag:s15], $0x2800  }
0x5b: {  	s24 =	sadd.s32 $0x500, s24;
	s23 =	sadd.s32 $0x500, s23;
	[sflag:s15] =	ssyncset.done $0x0  }
0x5c: {  	s26 =	sadd.s32 s25, s10;
	[sflag:s15] =	ssyncadd.s32 $0xFFFFD800  }
0x5d: {  	[tilespmem:s3], [sflag:$0x2] =	stream.linear.gather [hbm4b:s26+s3], $0x80, $0x38;
	[tilespmem:$0x1B500] =	vst v63  }
0x5e: {  	_ =	swait.ge [sflag:s15], $0x80  }
0x5f: {  	[sflag:s15] =	ssyncset.done $0x0  }
0x60: {  	s31 =	sadd.s32 s25, s11;
	[sflag:s15] =	ssyncadd.s32 $0xFFFFFF80  }
0x61: {  	[tilespmem:s16], [sflag:$0x2] =	stream.linear.gather [hbm4b:s31+s3], $0x80, $0x38;
	[tilespmem:$0x1B500] =	vst v63  }
0x62: {  	_ =	swait.ge [sflag:s15], $0x80  }
0x63: {  	[sflag:s15] =	ssyncset.done $0x0  }
0x64: {  	[sflag:s15] =	ssyncadd.s32 $0xFFFFFF80  }
0x65: {  	[tilespmem:s18], [sflag:$0x1] =	stream.indirect.gather [hbm4b:s4+s17], $0x80, s3, s17, $0xb8;
	[tilespmem:$0x1B500] =	vst v63  }
0x66: {  	_ = 	snop  }
0x67: {  	[tilespmem:s19], [sflag:$0x1] =	stream.indirect.gather [hbm4b:s5+s17], $0x80, s3, s17, $0xb8;
	[tilespmem:$0x1B500] =	vst v63  }
0x68: {  	_ = 	snop  }
0x69: {  	[tilespmem:s20], [sflag:$0x1] =	stream.indirect.gather [hbm4b:s5+s17], $0x80, s16, s17, $0xb8;
	[tilespmem:$0x1B500] =	vst v63  }
0x6a: {  	_ =	swait.ge [sflag:s21], $0x2800  }
0x6b: {  	[sflag:s21] =	ssyncset.done $0x0  }
0x6c: {  	[sflag:s21] =	ssyncadd.s32 $0xFFFFD800  }
0x6d: {  	_ =	swait.ge [sflag:s21], $0x2800  }
0x6e: {  	[sflag:s21] =	ssyncset.done $0x0  }
0x6f: {  	[sflag:s21] =	ssyncadd.s32 $0xFFFFD800  }
0x70: {  	_ =	swait.ge [sflag:s21], $0x2800  }
0x71: {  	[sflag:s21] =	ssyncset.done $0x0  }
0x72: {  	[sflag:s21] =	ssyncadd.s32 $0xFFFFD800  }
0x73: {  	[spmem:s2] =	stream.indirect.scatter.add.f32 [tilespmem:s18], [sflag:$0x2], $0x80, s16, s17, $0xb8;
	[tilespmem:$0x1B500] =	vst v63  }
0x74: {  	_ =	swait.ge [sflag:s15], $0x2800  }
0x75: {  	[sflag:s15] =	ssyncset.done $0x0  }
0x76: {  	[sflag:s15] =	ssyncadd.s32 $0xFFFFD800  }
0x77: {  	[hbm4b:s24+s3] =	stream.linear.scatter [tilespmem:s19], [sflag:$0x2], $0x2800, $0x38;
	[tilespmem:$0x1B500] =	vst v63  }
0x78: {  	_ =	swait.ge [sflag:s15], $0x2800  }
0x79: {  	[sflag:s15] =	ssyncset.done $0x0  }
0x7a: {  	[sflag:s15] =	ssyncadd.s32 $0xFFFFD800  }
0x7b: {  	[hbm4b:s23+s3] =	stream.linear.scatter [tilespmem:s20], [sflag:$0x2], $0x2800, $0x38;
	[tilespmem:$0x1B500] =	vst v63  }
0x7c: {  	_ =	swait.ge [sflag:s15], $0x2800  }
0x7d: {  	s22 =	sadd.s32 $0x1, s22;
	[sflag:s15] =	ssyncset.done $0x0  }
0x7e: {  	p0 =	sne.s32 s22, s9;
	[sflag:s15] =	ssyncadd.s32 $0xFFFFD800  }
.Ltmp1:
0x7f: {  	[bflag:$0x0] =	sbarrier.arrive $0xFFFF;
	(pc) =	sbr.rel @p0 .LBB2_1-.Ltmp1, $4  }
0x80: {  	[hbm:s8], [sflag:s7] =	dma.local [spmem:s14], $0x2780  }
0x81: {  	_ =	swait.ge [sflag:s15], $0x2780  }
0x82: {  	[sflag:s15] =	ssyncset.done $0x0  }
0x83: {  	[sflag:s15] =	ssyncadd.s32 $0xFFFFD880  }
0x84: {  	_ =	sfence.sel $0x180000  }
0x85: {  	[bflag:$0x0] =	sbarrier.arrive $0xFFFF  }
0x86: {  	p0 =	sne.s32 s1, $0x0;
	_ =	strace $0x9000004A  }
0x87: {  	s0 =	sadd.s32 @!p0 $0x100000, s0;
	[bflag:$0x2] =	sbarrier.arrive $0xFFFF  }
0x88: {  	[sflag:s0] =	ssyncadd.tile.s32 @!p0 $0x1;
	_ =	shalt  }
.Lfunc_end2:
_tile_overlayer_lowered:
.L_overlay_start_2:
0x89: {  	(tag) =	ssettag $0x2  }
0x8a: {  	s0 =	rddreg [dreg:$0x0];
	s2 =	stileid.u32  }
0x8b: {  	s1 =	rddreg [dreg:$0x1];
	p0 =	sne.s32 s2, $0x0  }
0x8c: {  	s3 =	rddreg [dreg:$0x2];
	[bflag:$0x3] =	sbarrier.arrive $0xFFFF;
	s2 =	simm.s32 @!p0 $0x1C02  }
0x8d: {  	[timem:s3], [sflag:s2] =	dma.local @!p0 [hbm:s0], s1  }
0x8e: {  	s0 =	simm.s32 @!p0 $0x2  }
0x8f: {  	_ =	swait.ge @!p0 [sflag:s0], s1  }
0x90: {  	s1 =	ssub.s32 @!p0 $0x0, s1;
	[sflag:s0] =	ssyncset.done @!p0 $0x0  }
0x91: {  	[sflag:s0] =	ssyncadd.s32 @!p0 s1  }
0x92: {  	[bflag:$0x3] =	sbarrier.arrive $0xFFFF  }
0x93: {  	_ =	shalt  }

// kernel: kernel.13.cloned.1.call-start
scs
__scs_entry_jumppad:
0x0: {  	(pc) =	sbr.rel $0x88, $3  }
0x1: {  	(tag) =	ssettag $0x0;
	lr =	simm.s32 $0x1  }
0x2: {  	[smem:$0x3F8C] =	sst lr;
	_ =	strace $0xD0000000  }
0x3: {  	_ = 	snop  }
0x4: {  	_ = 	snop  }
0x5: {  	_ = 	snop  }
0x6: {  	_ = 	snop  }
0x7: {  	_ = 	snop  }
__scs_overlays_trampoline_lowered:
0x8: {  	[smem:$0x3F9B] =	sst s0  }
0x9: {  	[smem:$0x3F9C] =	sst s1  }
0xa: {  	[smem:$0x3F9D] =	sst s2  }
0xb: {  	[smem:$0x3F9E] =	sst s3  }
0xc: {  	[smem:$0x3F9F] =	sst s4  }
0xd: {  	[smem:$0x3FA0] =	sst s5  }
0xe: {  	[smem:$0x3FA1] =	sst s6  }
0xf: {  	[smem:$0x3FA2] =	sst s7  }
0x10: {  	[smem:$0x3FA3] =	sst s8  }
0x11: {  	[smem:$0x3FA4] =	sst s9;
	s0 =	simm.s32 @!p0 $0x0  }
0x12: {  	s1 =	sld [smem:$0x3F8A];
	s0 =	simm.s32 @p0 $0x1  }
0x13: {  	[smem:$0x3FA5] =	sst s0;
	s0 =	simm.s32 @!p1 $0x0  }
0x14: {  	s2 =	sld [smem:$0x3F89];
	s0 =	simm.s32 @p1 $0x1  }
0x15: {  	[smem:$0x3FA6] =	sst s0;
	s0 =	simm.s32 @!p2 $0x0  }
0x16: {  	s3 =	sld [smem:$0x3FDB];
	s0 =	simm.s32 @p2 $0x1  }
0x17: {  	s4 =	simm.s32 $0x1BF5;
	[smem:$0x3FA8] =	sst s0  }
0x18: {  	s0 =	sld [smem:$0x3F8B];
	_ =	swait.ge [sflag:s4], $0x0  }
0x19: {  	s7 =	sld [smem:$0x3F8C]  }
0x1a: {  	s8 =	sadd.s32 $0xFFFFE003, lr  }
0x1b: {  	s9 =	sadd.s32 $0xFFFFFEF7, lr;
	s5 =	simm.s32 $0xFFFFFFFF;
	p2 =	slt.u32 s8, $0xFFFFF086  }
0x1c: {  	p1 =	slt.u32 s9, $0xF7A;
	s5 =	simm.s32 @!p2 $0x0  }
0x1d: {  	s5 =	simm.s32 @p1 $0x1;
	p0 =	seq.s32 s7, s2  }
0x1e: {  	s7 =	smul.u32 @!p0 $0xF7A, s2;
	p2 =	seq.s32 @!p0 s5, $0x0  }
0x1f: {  	s9 =	smul.u32 $0xF7A, s1;
	s8 =	simm.s32 @!p0 $0x1BF5;
	p2 =	por !p2, p0  }
0x20: {  	[sflag:s8] =	ssyncset.s32 @!p0 $0xFFFFF086;
	s6 =	sadd.s32 @!p0 s3, s7;
	s7 =	simm.s32 @!p0 $0x108  }
0x21: {  	s3 =	sadd.s32 s3, s9;
	s6 =	sadd.s32 @!p0 $0x88, s6;
	s7 =	simm.s32 @p2 $0x1082  }
0x22: {  	[simem:s7], [sflag:s8] =	dma.local @!p0 [hbm:s6], $0xF7A  }
0x23: {  	s9 =	sor.u32 $0xD0000000, s2;
	s6 =	simm.s32 $0x108;
	_ =	swait.ge @!p0 [sflag:s8], $0x0  }
0x24: {  	s3 =	sadd.s32 $0x88, s3;
	s6 =	simm.s32 @!p1 $0x1082;
	[sflag:s4] =	ssyncset.s32 $0xFFFFF086  }
0x25: {  	[simem:s6], [sflag:s4] =	dma.local [hbm:s3], $0xF7A  }
0x26: {  	[smem:$0x3F8C] =	sst s1;
	(tag) =	ssettag s2;
	_ =	strace s9  }
0x27: {  	s1 =	sld [smem:$0x3F9C]  }
0x28: {  	s2 =	sld [smem:$0x3F9D]  }
0x29: {  	s4 =	sld [smem:$0x3F9F]  }
0x2a: {  	p0 =	seq.s32 s5, $0x0;
	s5 =	sld [smem:$0x3FA0]  }
0x2b: {  	s6 =	sld [smem:$0x3FA1]  }
0x2c: {  	s7 =	sld [smem:$0x3FA2]  }
0x2d: {  	s3 =	simm.s32 $0x108;
	s8 =	sld [smem:$0x3FA3]  }
0x2e: {  	s3 =	simm.s32 @!p0 $0x1082;
	s9 =	sld [smem:$0x3FA4]  }
0x2f: {  	lr =	sadd.s32 s0, s3;
	s0 =	sld [smem:$0x3F9B]  }
0x30: {  	s3 =	sld [smem:$0x3F9E]  }
0x31: {  	[smem:$0x3FA7] =	sst s10  }
0x32: {  	s10 =	sld [smem:$0x3FA5];
	_ =	sdelay $0x3  }
0x33: {  	p0 =	seq.s32 s10, $0x1;
	s10 =	sld [smem:$0x3FA7];
	_ =	sdelay $0x3  }
0x34: {  	[smem:$0x3FA7] =	sst s10  }
0x35: {  	s10 =	sld [smem:$0x3FA6];
	_ =	sdelay $0x3  }
0x36: {  	p1 =	seq.s32 s10, $0x1;
	s10 =	sld [smem:$0x3FA7];
	_ =	sdelay $0x3  }
0x37: {  	[smem:$0x3FA7] =	sst s10  }
0x38: {  	s10 =	sld [smem:$0x3FA8]  }
0x39: {  	_ = 	snop;
	(pc) =	sbr.ind lr, $3  }
0x3a: {  	_ = 	snop  }
0x3b: {  	_ = 	snop  }
0x3c: {  	p2 =	seq.s32 s10, $0x1;
	s10 =	sld [smem:$0x3FA7]  }
0x3d: {  	_ =	shalt  }
0x3e: {  	_ =	shalt  }
0x3f: {  	_ =	shalt  }
0x40: {  	_ =	shalt  }
0x41: {  	_ =	shalt  }
0x42: {  	_ =	shalt  }
0x43: {  	_ =	shalt  }
0x44: {  	_ =	shalt  }
0x45: {  	_ =	shalt  }
0x46: {  	_ =	shalt  }
0x47: {  	_ =	shalt  }
0x48: {  	_ =	shalt  }
0x49: {  	_ =	shalt  }
0x4a: {  	_ =	shalt  }
0x4b: {  	_ =	shalt  }
0x4c: {  	_ =	shalt  }
0x4d: {  	_ =	shalt  }
0x4e: {  	_ =	shalt  }
0x4f: {  	_ =	shalt  }
0x50: {  	_ =	shalt  }
0x51: {  	_ =	shalt  }
0x52: {  	_ =	shalt  }
0x53: {  	_ =	shalt  }
0x54: {  	_ =	shalt  }
0x55: {  	_ =	shalt  }
0x56: {  	_ =	shalt  }
0x57: {  	_ =	shalt  }
0x58: {  	_ =	shalt  }
0x59: {  	_ =	shalt  }
0x5a: {  	_ =	shalt  }
0x5b: {  	_ =	shalt  }
0x5c: {  	_ =	shalt  }
0x5d: {  	_ =	shalt  }
0x5e: {  	_ =	shalt  }
0x5f: {  	_ =	shalt  }
0x60: {  	_ =	shalt  }
0x61: {  	_ =	shalt  }
0x62: {  	_ =	shalt  }
0x63: {  	_ =	shalt  }
0x64: {  	_ =	shalt  }
0x65: {  	_ =	shalt  }
0x66: {  	_ =	shalt  }
0x67: {  	_ =	shalt  }
0x68: {  	_ =	shalt  }
0x69: {  	_ =	shalt  }
0x6a: {  	_ =	shalt  }
0x6b: {  	_ =	shalt  }
0x6c: {  	_ =	shalt  }
0x6d: {  	_ =	shalt  }
0x6e: {  	_ =	shalt  }
0x6f: {  	_ =	shalt  }
0x70: {  	_ =	shalt  }
0x71: {  	_ =	shalt  }
0x72: {  	_ =	shalt  }
0x73: {  	_ =	shalt  }
0x74: {  	_ =	shalt  }
0x75: {  	_ =	shalt  }
0x76: {  	_ =	shalt  }
0x77: {  	_ =	shalt  }
0x78: {  	_ =	shalt  }
0x79: {  	_ =	shalt  }
0x7a: {  	_ =	shalt  }
0x7b: {  	_ =	shalt  }
0x7c: {  	_ =	shalt  }
0x7d: {  	_ =	shalt  }
0x7e: {  	_ =	shalt  }
0x7f: {  	_ =	shalt  }
0x80: {  	_ =	shalt  }
0x81: {  	_ =	shalt  }
0x82: {  	_ =	shalt  }
0x83: {  	_ =	shalt  }
0x84: {  	_ =	shalt  }
0x85: {  	_ =	shalt  }
0x86: {  	_ =	shalt  }
0x87: {  	_ =	shalt  }
.Lfunc_end0:
.L_simem_size_0:
called_computation.2_lowered:
.L_overlay_start_0:
0x88: {  	s2 =	sld [smem:$0x3FD9]  }
0x89: {  	s3 =	sld [smem:$0x3FFE];
	_ =	sdelay $0x1  }
0x8a: {  	s1 =	srdreg.scid  }
0x8b: {  	s0 =	sand.u32 $0x1, s1  }
0x8c: {  	s16 =	sshll.u32 s0, $0xA;
	s2 =	sadd.s32 s3, s2  }
0x8d: {  	s2 =	sadd.s32 s2, s16  }
0x8e: {  	[smem:$0x3FB3] =	sst s2  }
0x8f: {  	_ = 	snop  }
0x90: {  	(tm) =	ssettm $0x1  }
0x91: {  	s17 =	sld [smem:$0x3FFB];
	_ =	sdelay $0x3  }
0x92: {  	_ =	strace s17  }
0x93: {  	s2 =	sld [smem:$0x3FFC];
	_ =	sdelay $0x3  }
0x94: {  	_ =	strace s2  }
0x95: {  	s2 =	sld [smem:$0x3FFD];
	_ =	sdelay $0x3  }
0x96: {  	_ =	strace s2  }
0x97: {  	_ =	strace $0x8FFFFFFF  }
0x98: {  	s18 =	sld [smem:$0x3FDB];
	_ =	sdelay $0x1  }
0x99: {  	s19 =	simm.s32 $_scs_section_size  }
0x9a: {  	s4 =	simm.s32 $_size__tile_overlayer_lowered;
	s5 =	simm.s32 $_tile_overlayer_lowered  }
0x9b: {  	s22 =	simm.s32 $0x1BFF;
	s21 =	sshll.u32 s5, $0x1;
	s2 =	sadd.s32 s19, s18  }
0x9c: {  	s6 =	simm.s32 $0x0;
	s20 =	sshll.u32 s4, $0x1;
	s4 =	sadd.s32 s21, s2  }
0x9d: {  	[timem:s6], [sflag:s22] =	dma.local [hbm:s4], s20  }
0x9e: {  	_ =	swait.ge [sflag:s22], s20  }
0x9f: {  	s3 =	ssub.s32 $0x0, s20;
	[sflag:s22] =	ssyncset.done $0x0  }
0xa0: {  	[sflag:s22] =	ssyncadd.s32 s3;
	_ =	sdelay $0x1  }
0xa1: {  	s23 =	simm.s32 $0x1B8B  }
0xa2: {  	_ =	swait.ge [sflag:s23], $0x1  }
0xa3: {  	[sflag:s23] =	ssyncset.done $0x0  }
0xa4: {  	s25 =	simm.s32 $0x1B8E;
	s24 =	sld [smem:$0x3FFE];
	[sflag:s23] =	ssyncadd.s32 $0xFFFFFFFF  }
0xa5: {  	s26 =	simm.s32 $execute0_lowered;
	[smem:$0x3FD2] =	sst s25  }
0xa6: {  	s4 =	sshll.u32 s26, $0x1;
	_ =	strace $0x8000004C;
	[dreg:$0x1] =	wrdreg $0xFFFFFFFF  }
0xa7: {  	s28 =	simm.s32 $_size_execute0_lowered;
	s2 =	sadd.s32 s2, s4;
	[dreg:$0x0] =	wrdreg $0x0  }
0xa8: {  	s4 =	sshll.u32 s28, $0x1;
	[dreg:$0x2] =	wrdreg s2  }
0xa9: {  	[dreg:$0x3] =	wrdreg s4  }
0xaa: {  	[dreg:$0x4] =	wrdreg $0xC0  }
0xab: {  	_ =	task [dreg:s6], $0x5FFFF  }
0xac: {  	[dreg:$0x1] =	wrdreg $0xFFFFFFFF  }
0xad: {  	[dreg:$0x0] =	wrdreg $0x60  }
0xae: {  	[dreg:$0x2] =	wrdreg s24  }
0xaf: {  	[dreg:$0x3] =	wrdreg $0x51000  }
0xb0: {  	[dreg:$0x4] =	wrdreg $0x9  }
0xb1: {  	_ =	task.clear_ibuf [dreg:s6], $0x5FFFF;
	_ =	strace $0x9000004C  }
0xb2: {  	s29 =	simm.s32 $0x9;
	_ =	strace $0x8000004E  }
0xb3: {  	_ =	swait.ge [sflag:s29], $0x1  }
0xb4: {  	[sflag:s29] =	ssyncadd.s32 $0xFFFFFFFF  }
0xb5: {  	_ =	strace $0x9000004E  }
0xb6: {  	_ =	sfence  }
0xb7: {  	s30 =	sld [smem:$0x0];
	_ =	sdelay $0x2  }
0xb8: {  	s31 =	sshll.u32 s1, $0xD;
	s1 =	sshrl.u32 s1, $0x2  }
0xb9: {  	s3 =	sand.u32 $0x4000, s31;
	s1 =	sadd.s32 s1, s30  }
0xba: {  	s0 =	sor.u32 s3, s0;
	s1 =	sshll.u32 s1, $0x11  }
0xbb: {  	s0 =	sor.u32 s1, s0  }
0xbc: {  	s0 =	sadd.s32 $0x8F2B, s0  }
0xbd: {  	[sflag:s0] =	ssyncadd.remote.s32 $0x1  }
0xbe: {  	_ =	sfence.sel $0xFFFF  }
0xbf: {  	[dreg:$0x0] =	wrdreg $0xFFFFFFFF;
	(pc) =	sbr.abs _section_cstart, $3  }
0xc0: {  	[dreg:$0x1] =	wrdreg $0xFFFFFFFF  }
0xc1: {  	_ =	task.clear_ibuf [dreg:s6], $0x2FFFF;
	_ =	strace $0x9FFFFFFF  }
0xc2: {  	(tm) =	ssettm $0x7FFFFFFF  }
0xc3: {  	_ =	shalt  }
tec
execute0_lowered:
.L_overlay_start_1:
0x0: {  	(tag) =	ssettag $0x1  }
0x1: {  	s5 =	rddreg [dreg:$0x0]  }
0x2: {  	s1 =	rddreg [dreg:$0x1]  }
0x3: {  	s0 =	rddreg [dreg:$0x2];
	s3 =	simm.s32 $0x0  }
0x4: {  	s4 =	srdreg.scid;
	s2 =	stileid.u32;
	s15 =	simm.s32 $0x80  }
0x5: {  	s16 =	simm.s32 $0x50;
	s17 =	simm.s32 $0x100;
	s18 =	simm.s32 $0x2900  }
0x6: {  	s19 =	simm.s32 $0x1;
	s20 =	simm.s32 $0x0;
	s7 =	smul.u32 $0x2780, s2  }
0x7: {  	[smem:$0x7FF] =	sst s3;
	s6 =	sand.u32 $0x1, s4;
	s11 =	smul.u32 $0x4F000, s2  }
0x8: {  	s4 =	sadd.s32 $0x37400, s5;
	s29 =	sshll.u32 s2, $0x6;
	s30 =	smul.u32 $0x27100, s2  }
0x9: {  	s14 =	sshll.u32 s2, $0xB;
	_ =	strace $0x8000004D;
	s9 =	smul.u32 $0x27800, s6  }
0xa: {  	s8 =	sshll.u32 s6, $0xF;
	s28 =	smul.u32 $0x271000, s6;
	s6 =	ssub.s32 $0x2, s6  }
0xb: {  	s10 =	sadd.s32 s8, s5;
	s26 =	sadd.s32 s7, s5;
	s12 =	sshrl.u32 s6, $0x1  }
0xc: {  	s11 =	sshrl.u32 s11, $0x2;
	s7 =	sadd.s32 s7, s9;
	s9 =	sadd.s32 s28, s5  }
0xd: {  	s12 =	ssub.s32 s6, s12;
	s13 =	sadd.s32 s11, s1;
	s6 =	sor.u32 $0x1C02, s29  }
0xe: {  	s10 =	sadd.s32 s14, s10;
	s14 =	simm.s32 $0x2;
	s7 =	sadd.s32 s7, s5  }
0xf: {  	s5 =	sadd.s32 $0x5EC00, s26;
	s8 =	smax.u32 s12, $0x1;
	s31 =	sadd.s32 s30, s9  }
0x10: {  	s9 =	sadd.s32 $0x27400, s10;
	s10 =	sadd.s32 $0x17400, s10;
	s7 =	sadd.s32 $0x86400, s7  }
0x11: {  	s13 =	sshrl.u32 s13, $0x3;
	s11 =	sadd.s32 $0xAC0C00, s31;
	s12 =	sadd.s32 $0xFA2C00, s31  }
.LBB2_1:
0x12: {  	[spmem:s13], [sflag:s6] =	dma.local [hbm:s5], $0x2780  }
0x13: {  	_ =	swait.ge [sflag:s14], $0x2780  }
0x14: {  	[sflag:s14] =	ssyncset.done $0x0  }
0x15: {  	[sflag:s14] =	ssyncadd.s32 $0xFFFFD880  }
0x16: {  	s21 =	sadd.s32 $0x0, s9;
	[bflag:$0x0] =	sbarrier.arrive $0xFFFF  }
0x17: {  	[tilespmem:s3], [sflag:$0x2] =	stream.linear.gather [hbm4b:s21+s3], $0x80, $0x38;
	[tilespmem:$0x18D00] =	vst v63  }
0x18: {  	_ =	swait.ge [sflag:s14], $0x80  }
0x19: {  	[sflag:s14] =	ssyncset.done $0x0  }
0x1a: {  	s31 =	sadd.s32 $0x0, s10;
	[sflag:s14] =	ssyncadd.s32 $0xFFFFFF80  }
0x1b: {  	[tilespmem:s15], [sflag:$0x2] =	stream.linear.gather [hbm4b:s31+s3], $0x80, $0x38;
	[tilespmem:$0x18D00] =	vst v63  }
0x1c: {  	_ =	swait.ge [sflag:s14], $0x80  }
0x1d: {  	[sflag:s14] =	ssyncset.done $0x0  }
0x1e: {  	[sflag:s14] =	ssyncadd.s32 $0xFFFFFF80  }
0x1f: {  	[tilespmem:s17], [sflag:$0x1] =	stream.indirect.gather [hbm4b:s4+s16], $0x80, s3, s16, $0xb8;
	[tilespmem:$0x18D00] =	vst v63  }
0x20: {  	_ = 	snop  }
0x21: {  	[tilespmem:s18], [sflag:$0x1] =	stream.indirect.gather [hbm4b:s4+s16], $0x80, s15, s16, $0xb8;
	[tilespmem:$0x18D00] =	vst v63  }
0x22: {  	_ =	swait.ge [sflag:s19], $0x2800  }
0x23: {  	[sflag:s19] =	ssyncset.done $0x0  }
0x24: {  	[sflag:s19] =	ssyncadd.s32 $0xFFFFD800  }
0x25: {  	_ =	swait.ge [sflag:s19], $0x2800  }
0x26: {  	[sflag:s19] =	ssyncset.done $0x0  }
0x27: {  	[sflag:s19] =	ssyncadd.s32 $0xFFFFD800  }
0x28: {  	[spmem:s1] =	stream.indirect.scatter.add.f32 [tilespmem:s17], [sflag:$0x2], $0x80, s15, s16, $0xb8;
	[tilespmem:$0x18D00] =	vst v63  }
0x29: {  	_ =	swait.ge [sflag:s14], $0x2800  }
0x2a: {  	[sflag:s14] =	ssyncset.done $0x0  }
0x2b: {  	[sflag:s14] =	ssyncadd.s32 $0xFFFFD800  }
0x2c: {  	[hbm4b:s11+s3] =	stream.linear.scatter [tilespmem:s17], [sflag:$0x2], $0x2800, $0x38;
	[tilespmem:$0x18D00] =	vst v63  }
0x2d: {  	_ =	swait.ge [sflag:s14], $0x2800  }
0x2e: {  	[sflag:s14] =	ssyncset.done $0x0  }
0x2f: {  	[sflag:s14] =	ssyncadd.s32 $0xFFFFD800  }
0x30: {  	[hbm4b:s12+s3] =	stream.linear.scatter [tilespmem:s18], [sflag:$0x2], $0x2800, $0x38;
	[tilespmem:$0x18D00] =	vst v63  }
0x31: {  	s23 =	simm.s32 $0x10;
	s24 =	simm.s32 $0x20;
	_ =	swait.ge [sflag:s14], $0x2800  }
0x32: {  	s22 =	sadd.s32 $0x500, s11;
	s21 =	sadd.s32 $0x500, s12;
	[sflag:s14] =	ssyncset.done $0x0  }
.LBB2_2:
0x33: {  	s25 =	sadd.s32 s23, s9  }
0x34: {  	[sflag:s14] =	ssyncadd.s32 $0xFFFFD800;
	s26 =	smov.u32 s24;
	s28 =	sadd.s32 $0x10, s24  }
0x35: {  	[tilespmem:s3], [sflag:$0x2] =	stream.linear.gather [hbm4b:s25+s3], $0x80, $0x38;
	[tilespmem:$0x18D00] =	vst v63  }
0x36: {  	p0 =	sne.s32 s24, $0x7C0;
	_ =	swait.ge [sflag:s14], $0x80  }
0x37: {  	[sflag:s14] =	ssyncset.done $0x0  }
0x38: {  	s24 =	sadd.s32 s23, s10;
	s23 =	smov.u32 s26;
	[sflag:s14] =	ssyncadd.s32 $0xFFFFFF80  }
0x39: {  	[tilespmem:s15], [sflag:$0x2] =	stream.linear.gather [hbm4b:s24+s3], $0x80, $0x38;
	[tilespmem:$0x18D00] =	vst v63  }
0x3a: {  	_ =	swait.ge [sflag:s14], $0x80  }
0x3b: {  	[sflag:s14] =	ssyncset.done $0x0  }
0x3c: {  	[sflag:s14] =	ssyncadd.s32 $0xFFFFFF80  }
0x3d: {  	[tilespmem:s17], [sflag:$0x1] =	stream.indirect.gather [hbm4b:s4+s16], $0x80, s3, s16, $0xb8;
	[tilespmem:$0x18D00] =	vst v63  }
0x3e: {  	_ = 	snop  }
0x3f: {  	[tilespmem:s18], [sflag:$0x1] =	stream.indirect.gather [hbm4b:s4+s16], $0x80, s15, s16, $0xb8;
	[tilespmem:$0x18D00] =	vst v63  }
0x40: {  	_ =	swait.ge [sflag:s19], $0x2800  }
0x41: {  	[sflag:s19] =	ssyncset.done $0x0  }
0x42: {  	[sflag:s19] =	ssyncadd.s32 $0xFFFFD800  }
0x43: {  	_ =	swait.ge [sflag:s19], $0x2800  }
0x44: {  	[sflag:s19] =	ssyncset.done $0x0  }
0x45: {  	[sflag:s19] =	ssyncadd.s32 $0xFFFFD800  }
0x46: {  	[spmem:s1] =	stream.indirect.scatter.add.f32 [tilespmem:s17], [sflag:$0x2], $0x80, s15, s16, $0xb8;
	[tilespmem:$0x18D00] =	vst v63  }
0x47: {  	_ =	swait.ge [sflag:s14], $0x2800  }
0x48: {  	[sflag:s14] =	ssyncset.done $0x0  }
0x49: {  	[sflag:s14] =	ssyncadd.s32 $0xFFFFD800  }
0x4a: {  	[hbm4b:s22+s3] =	stream.linear.scatter [tilespmem:s17], [sflag:$0x2], $0x2800, $0x38;
	[tilespmem:$0x18D00] =	vst v63  }
0x4b: {  	_ =	swait.ge [sflag:s14], $0x2800  }
.Ltmp0:
0x4c: {  	[sflag:s14] =	ssyncset.done $0x0;
	(pc) =	sbr.rel @p0 .LBB2_2-.Ltmp0, $4  }
0x4d: {  	[sflag:s14] =	ssyncadd.s32 $0xFFFFD800  }
0x4e: {  	[hbm4b:s21+s3] =	stream.linear.scatter [tilespmem:s18], [sflag:$0x2], $0x2800, $0x38;
	[tilespmem:$0x18D00] =	vst v63  }
0x4f: {  	s24 =	smov.u32 s28;
	_ =	swait.ge [sflag:s14], $0x2800  }
0x50: {  	s22 =	sadd.s32 $0x500, s22;
	s21 =	sadd.s32 $0x500, s21;
	[sflag:s14] =	ssyncset.done $0x0  }
0x51: {  	s24 =	sadd.s32 s23, s9;
	[sflag:s14] =	ssyncadd.s32 $0xFFFFD800  }
0x52: {  	[tilespmem:s3], [sflag:$0x2] =	stream.linear.gather [hbm4b:s24+s3], $0x80, $0x38;
	[tilespmem:$0x18D00] =	vst v63  }
0x53: {  	_ =	swait.ge [sflag:s14], $0x80  }
0x54: {  	[sflag:s14] =	ssyncset.done $0x0  }
0x55: {  	s31 =	sadd.s32 s23, s10;
	[sflag:s14] =	ssyncadd.s32 $0xFFFFFF80  }
0x56: {  	[tilespmem:s15], [sflag:$0x2] =	stream.linear.gather [hbm4b:s31+s3], $0x80, $0x38;
	[tilespmem:$0x18D00] =	vst v63  }
0x57: {  	_ =	swait.ge [sflag:s14], $0x80  }
0x58: {  	[sflag:s14] =	ssyncset.done $0x0  }
0x59: {  	[sflag:s14] =	ssyncadd.s32 $0xFFFFFF80  }
0x5a: {  	[tilespmem:s17], [sflag:$0x1] =	stream.indirect.gather [hbm4b:s4+s16], $0x80, s3, s16, $0xb8;
	[tilespmem:$0x18D00] =	vst v63  }
0x5b: {  	_ = 	snop  }
0x5c: {  	[tilespmem:s18], [sflag:$0x1] =	stream.indirect.gather [hbm4b:s4+s16], $0x80, s15, s16, $0xb8;
	[tilespmem:$0x18D00] =	vst v63  }
0x5d: {  	_ =	swait.ge [sflag:s19], $0x2800  }
0x5e: {  	[sflag:s19] =	ssyncset.done $0x0  }
0x5f: {  	[sflag:s19] =	ssyncadd.s32 $0xFFFFD800  }
0x60: {  	_ =	swait.ge [sflag:s19], $0x2800  }
0x61: {  	[sflag:s19] =	ssyncset.done $0x0  }
0x62: {  	[sflag:s19] =	ssyncadd.s32 $0xFFFFD800  }
0x63: {  	[spmem:s1] =	stream.indirect.scatter.add.f32 [tilespmem:s17], [sflag:$0x2], $0x80, s15, s16, $0xb8;
	[tilespmem:$0x18D00] =	vst v63  }
0x64: {  	_ =	swait.ge [sflag:s14], $0x2800  }
0x65: {  	[sflag:s14] =	ssyncset.done $0x0  }
0x66: {  	[sflag:s14] =	ssyncadd.s32 $0xFFFFD800  }
0x67: {  	[hbm4b:s22+s3] =	stream.linear.scatter [tilespmem:s17], [sflag:$0x2], $0x2800, $0x38;
	[tilespmem:$0x18D00] =	vst v63  }
0x68: {  	_ =	swait.ge [sflag:s14], $0x2800  }
0x69: {  	[sflag:s14] =	ssyncset.done $0x0  }
0x6a: {  	[sflag:s14] =	ssyncadd.s32 $0xFFFFD800  }
0x6b: {  	[hbm4b:s21+s3] =	stream.linear.scatter [tilespmem:s18], [sflag:$0x2], $0x2800, $0x38;
	[tilespmem:$0x18D00] =	vst v63  }
0x6c: {  	_ =	swait.ge [sflag:s14], $0x2800  }
0x6d: {  	s20 =	sadd.s32 $0x1, s20;
	[sflag:s14] =	ssyncset.done $0x0  }
0x6e: {  	p0 =	sne.s32 s20, s8;
	[sflag:s14] =	ssyncadd.s32 $0xFFFFD800  }
.Ltmp1:
0x6f: {  	[bflag:$0x0] =	sbarrier.arrive $0xFFFF;
	(pc) =	sbr.rel @p0 .LBB2_1-.Ltmp1, $4  }
0x70: {  	[hbm:s7], [sflag:s6] =	dma.local [spmem:s13], $0x2780  }
0x71: {  	_ =	swait.ge [sflag:s14], $0x2780  }
0x72: {  	[sflag:s14] =	ssyncset.done $0x0  }
0x73: {  	[sflag:s14] =	ssyncadd.s32 $0xFFFFD880  }
0x74: {  	_ =	sfence.sel $0x180000  }
0x75: {  	[bflag:$0x0] =	sbarrier.arrive $0xFFFF  }
0x76: {  	p0 =	sne.s32 s2, $0x0;
	_ =	strace $0x9000004D  }
0x77: {  	s0 =	sadd.s32 @!p0 $0x100000, s0;
	[bflag:$0x2] =	sbarrier.arrive $0xFFFF  }
0x78: {  	[sflag:s0] =	ssyncadd.tile.s32 @!p0 $0x1;
	_ =	shalt  }
.Lfunc_end2:
_tile_overlayer_lowered:
.L_overlay_start_2:
0x79: {  	(tag) =	ssettag $0x2  }
0x7a: {  	s0 =	rddreg [dreg:$0x0];
	s2 =	stileid.u32  }
0x7b: {  	s1 =	rddreg [dreg:$0x1];
	p0 =	sne.s32 s2, $0x0  }
0x7c: {  	s3 =	rddreg [dreg:$0x2];
	[bflag:$0x3] =	sbarrier.arrive $0xFFFF;
	s2 =	simm.s32 @!p0 $0x1C02  }
0x7d: {  	[timem:s3], [sflag:s2] =	dma.local @!p0 [hbm:s0], s1  }
0x7e: {  	s0 =	simm.s32 @!p0 $0x2  }
0x7f: {  	_ =	swait.ge @!p0 [sflag:s0], s1  }
0x80: {  	s1 =	ssub.s32 @!p0 $0x0, s1;
	[sflag:s0] =	ssyncset.done @!p0 $0x0  }
0x81: {  	[sflag:s0] =	ssyncadd.s32 @!p0 s1  }
0x82: {  	[bflag:$0x3] =	sbarrier.arrive $0xFFFF  }
0x83: {  	_ =	shalt  }

// kernel: kernel.16.cloned.1.call-start
scs
__scs_entry_jumppad:
0x0: {  	(pc) =	sbr.rel $0x88, $3  }
0x1: {  	(tag) =	ssettag $0x0;
	lr =	simm.s32 $0x1  }
0x2: {  	[smem:$0x3F8C] =	sst lr;
	_ =	strace $0xD0000000  }
0x3: {  	_ = 	snop  }
0x4: {  	_ = 	snop  }
0x5: {  	_ = 	snop  }
0x6: {  	_ = 	snop  }
0x7: {  	_ = 	snop  }
__scs_overlays_trampoline_lowered:
0x8: {  	[smem:$0x3F9B] =	sst s0  }
0x9: {  	[smem:$0x3F9C] =	sst s1  }
0xa: {  	[smem:$0x3F9D] =	sst s2  }
0xb: {  	[smem:$0x3F9E] =	sst s3  }
0xc: {  	[smem:$0x3F9F] =	sst s4  }
0xd: {  	[smem:$0x3FA0] =	sst s5  }
0xe: {  	[smem:$0x3FA1] =	sst s6  }
0xf: {  	[smem:$0x3FA2] =	sst s7  }
0x10: {  	[smem:$0x3FA3] =	sst s8  }
0x11: {  	[smem:$0x3FA4] =	sst s9;
	s0 =	simm.s32 @!p0 $0x0  }
0x12: {  	s1 =	sld [smem:$0x3F8A];
	s0 =	simm.s32 @p0 $0x1  }
0x13: {  	[smem:$0x3FA5] =	sst s0;
	s0 =	simm.s32 @!p1 $0x0  }
0x14: {  	s2 =	sld [smem:$0x3F89];
	s0 =	simm.s32 @p1 $0x1  }
0x15: {  	[smem:$0x3FA6] =	sst s0;
	s0 =	simm.s32 @!p2 $0x0  }
0x16: {  	s3 =	sld [smem:$0x3FDB];
	s0 =	simm.s32 @p2 $0x1  }
0x17: {  	s4 =	simm.s32 $0x1BF5;
	[smem:$0x3FA8] =	sst s0  }
0x18: {  	s0 =	sld [smem:$0x3F8B];
	_ =	swait.ge [sflag:s4], $0x0  }
0x19: {  	s7 =	sld [smem:$0x3F8C]  }
0x1a: {  	s8 =	sadd.s32 $0xFFFFE003, lr  }
0x1b: {  	s9 =	sadd.s32 $0xFFFFFEF7, lr;
	s5 =	simm.s32 $0xFFFFFFFF;
	p2 =	slt.u32 s8, $0xFFFFF086  }
0x1c: {  	p1 =	slt.u32 s9, $0xF7A;
	s5 =	simm.s32 @!p2 $0x0  }
0x1d: {  	s5 =	simm.s32 @p1 $0x1;
	p0 =	seq.s32 s7, s2  }
0x1e: {  	s7 =	smul.u32 @!p0 $0xF7A, s2;
	p2 =	seq.s32 @!p0 s5, $0x0  }
0x1f: {  	s9 =	smul.u32 $0xF7A, s1;
	s8 =	simm.s32 @!p0 $0x1BF5;
	p2 =	por !p2, p0  }
0x20: {  	[sflag:s8] =	ssyncset.s32 @!p0 $0xFFFFF086;
	s6 =	sadd.s32 @!p0 s3, s7;
	s7 =	simm.s32 @!p0 $0x108  }
0x21: {  	s3 =	sadd.s32 s3, s9;
	s6 =	sadd.s32 @!p0 $0x88, s6;
	s7 =	simm.s32 @p2 $0x1082  }
0x22: {  	[simem:s7], [sflag:s8] =	dma.local @!p0 [hbm:s6], $0xF7A  }
0x23: {  	s9 =	sor.u32 $0xD0000000, s2;
	s6 =	simm.s32 $0x108;
	_ =	swait.ge @!p0 [sflag:s8], $0x0  }
0x24: {  	s3 =	sadd.s32 $0x88, s3;
	s6 =	simm.s32 @!p1 $0x1082;
	[sflag:s4] =	ssyncset.s32 $0xFFFFF086  }
0x25: {  	[simem:s6], [sflag:s4] =	dma.local [hbm:s3], $0xF7A  }
0x26: {  	[smem:$0x3F8C] =	sst s1;
	(tag) =	ssettag s2;
	_ =	strace s9  }
0x27: {  	s1 =	sld [smem:$0x3F9C]  }
0x28: {  	s2 =	sld [smem:$0x3F9D]  }
0x29: {  	s4 =	sld [smem:$0x3F9F]  }
0x2a: {  	p0 =	seq.s32 s5, $0x0;
	s5 =	sld [smem:$0x3FA0]  }
0x2b: {  	s6 =	sld [smem:$0x3FA1]  }
0x2c: {  	s7 =	sld [smem:$0x3FA2]  }
0x2d: {  	s3 =	simm.s32 $0x108;
	s8 =	sld [smem:$0x3FA3]  }
0x2e: {  	s3 =	simm.s32 @!p0 $0x1082;
	s9 =	sld [smem:$0x3FA4]  }
0x2f: {  	lr =	sadd.s32 s0, s3;
	s0 =	sld [smem:$0x3F9B]  }
0x30: {  	s3 =	sld [smem:$0x3F9E]  }
0x31: {  	[smem:$0x3FA7] =	sst s10  }
0x32: {  	s10 =	sld [smem:$0x3FA5];
	_ =	sdelay $0x3  }
0x33: {  	p0 =	seq.s32 s10, $0x1;
	s10 =	sld [smem:$0x3FA7];
	_ =	sdelay $0x3  }
0x34: {  	[smem:$0x3FA7] =	sst s10  }
0x35: {  	s10 =	sld [smem:$0x3FA6];
	_ =	sdelay $0x3  }
0x36: {  	p1 =	seq.s32 s10, $0x1;
	s10 =	sld [smem:$0x3FA7];
	_ =	sdelay $0x3  }
0x37: {  	[smem:$0x3FA7] =	sst s10  }
0x38: {  	s10 =	sld [smem:$0x3FA8]  }
0x39: {  	_ = 	snop;
	(pc) =	sbr.ind lr, $3  }
0x3a: {  	_ = 	snop  }
0x3b: {  	_ = 	snop  }
0x3c: {  	p2 =	seq.s32 s10, $0x1;
	s10 =	sld [smem:$0x3FA7]  }
0x3d: {  	_ =	shalt  }
0x3e: {  	_ =	shalt  }
0x3f: {  	_ =	shalt  }
0x40: {  	_ =	shalt  }
0x41: {  	_ =	shalt  }
0x42: {  	_ =	shalt  }
0x43: {  	_ =	shalt  }
0x44: {  	_ =	shalt  }
0x45: {  	_ =	shalt  }
0x46: {  	_ =	shalt  }
0x47: {  	_ =	shalt  }
0x48: {  	_ =	shalt  }
0x49: {  	_ =	shalt  }
0x4a: {  	_ =	shalt  }
0x4b: {  	_ =	shalt  }
0x4c: {  	_ =	shalt  }
0x4d: {  	_ =	shalt  }
0x4e: {  	_ =	shalt  }
0x4f: {  	_ =	shalt  }
0x50: {  	_ =	shalt  }
0x51: {  	_ =	shalt  }
0x52: {  	_ =	shalt  }
0x53: {  	_ =	shalt  }
0x54: {  	_ =	shalt  }
0x55: {  	_ =	shalt  }
0x56: {  	_ =	shalt  }
0x57: {  	_ =	shalt  }
0x58: {  	_ =	shalt  }
0x59: {  	_ =	shalt  }
0x5a: {  	_ =	shalt  }
0x5b: {  	_ =	shalt  }
0x5c: {  	_ =	shalt  }
0x5d: {  	_ =	shalt  }
0x5e: {  	_ =	shalt  }
0x5f: {  	_ =	shalt  }
0x60: {  	_ =	shalt  }
0x61: {  	_ =	shalt  }
0x62: {  	_ =	shalt  }
0x63: {  	_ =	shalt  }
0x64: {  	_ =	shalt  }
0x65: {  	_ =	shalt  }
0x66: {  	_ =	shalt  }
0x67: {  	_ =	shalt  }
0x68: {  	_ =	shalt  }
0x69: {  	_ =	shalt  }
0x6a: {  	_ =	shalt  }
0x6b: {  	_ =	shalt  }
0x6c: {  	_ =	shalt  }
0x6d: {  	_ =	shalt  }
0x6e: {  	_ =	shalt  }
0x6f: {  	_ =	shalt  }
0x70: {  	_ =	shalt  }
0x71: {  	_ =	shalt  }
0x72: {  	_ =	shalt  }
0x73: {  	_ =	shalt  }
0x74: {  	_ =	shalt  }
0x75: {  	_ =	shalt  }
0x76: {  	_ =	shalt  }
0x77: {  	_ =	shalt  }
0x78: {  	_ =	shalt  }
0x79: {  	_ =	shalt  }
0x7a: {  	_ =	shalt  }
0x7b: {  	_ =	shalt  }
0x7c: {  	_ =	shalt  }
0x7d: {  	_ =	shalt  }
0x7e: {  	_ =	shalt  }
0x7f: {  	_ =	shalt  }
0x80: {  	_ =	shalt  }
0x81: {  	_ =	shalt  }
0x82: {  	_ =	shalt  }
0x83: {  	_ =	shalt  }
0x84: {  	_ =	shalt  }
0x85: {  	_ =	shalt  }
0x86: {  	_ =	shalt  }
0x87: {  	_ =	shalt  }
.Lfunc_end0:
.L_simem_size_0:
called_computation.3_lowered:
.L_overlay_start_0:
0x88: {  	s2 =	sld [smem:$0x3FD9]  }
0x89: {  	s3 =	sld [smem:$0x3FFE];
	_ =	sdelay $0x1  }
0x8a: {  	s1 =	srdreg.scid  }
0x8b: {  	s0 =	sand.u32 $0x1, s1  }
0x8c: {  	s17 =	sshll.u32 s0, $0xA;
	s2 =	sadd.s32 s3, s2  }
0x8d: {  	s2 =	sadd.s32 s2, s17  }
0x8e: {  	[smem:$0x3FB3] =	sst s2  }
0x8f: {  	_ = 	snop  }
0x90: {  	s2 =	sld [smem:$0x3FD0];
	(tm) =	ssettm $0x1  }
0x91: {  	s18 =	sld [smem:$0x3FFB];
	_ =	sdelay $0x3  }
0x92: {  	_ =	strace s18  }
0x93: {  	s3 =	sld [smem:$0x3FFC];
	_ =	sdelay $0x3  }
0x94: {  	_ =	strace s3  }
0x95: {  	s3 =	sld [smem:$0x3FFD];
	_ =	sdelay $0x3  }
0x96: {  	_ =	strace s3  }
0x97: {  	_ =	strace $0x8FFFFFFF  }
0x98: {  	s19 =	sld [smem:$0x3FDB];
	_ =	sdelay $0x1  }
0x99: {  	s4 =	simm.s32 $_scs_section_size  }
0x9a: {  	s5 =	simm.s32 $_size__tile_overlayer_lowered;
	s6 =	simm.s32 $_tile_overlayer_lowered  }
0x9b: {  	s22 =	simm.s32 $0x1BFF;
	s21 =	sshll.u32 s6, $0x1;
	s3 =	sadd.s32 s4, s19  }
0x9c: {  	s7 =	simm.s32 $0x0;
	s20 =	sshll.u32 s5, $0x1;
	s5 =	sadd.s32 s21, s3  }
0x9d: {  	[timem:s7], [sflag:s22] =	dma.local [hbm:s5], s20  }
0x9e: {  	_ =	swait.ge [sflag:s22], s20  }
0x9f: {  	s4 =	ssub.s32 $0x0, s20;
	[sflag:s22] =	ssyncset.done $0x0  }
0xa0: {  	[sflag:s22] =	ssyncadd.s32 s4;
	_ =	sdelay $0x1  }
0xa1: {  	s23 =	simm.s32 $0x1B8B  }
0xa2: {  	_ =	swait.ge [sflag:s23], $0x1  }
0xa3: {  	[sflag:s23] =	ssyncset.done $0x0  }
0xa4: {  	s25 =	simm.s32 $0x1B8E;
	s24 =	sld [smem:$0x3FFE];
	[sflag:s23] =	ssyncadd.s32 $0xFFFFFFFF  }
0xa5: {  	s26 =	simm.s32 $execute0_lowered;
	[smem:$0x3FD2] =	sst s25  }
0xa6: {  	s5 =	sshll.u32 s26, $0x1;
	_ =	strace $0x8000004F;
	[dreg:$0x1] =	wrdreg $0xFFFFFFFF  }
0xa7: {  	s28 =	simm.s32 $_size_execute0_lowered;
	s3 =	sadd.s32 s3, s5;
	[dreg:$0x0] =	wrdreg $0x0  }
0xa8: {  	s5 =	sshll.u32 s28, $0x1;
	[dreg:$0x2] =	wrdreg s3  }
0xa9: {  	[dreg:$0x3] =	wrdreg s5  }
0xaa: {  	[dreg:$0x4] =	wrdreg $0xC0  }
0xab: {  	_ =	task [dreg:s7], $0x5FFFF  }
0xac: {  	[dreg:$0x1] =	wrdreg $0xFFFFFFFF  }
0xad: {  	[dreg:$0x0] =	wrdreg $0x60  }
0xae: {  	[dreg:$0x2] =	wrdreg s2  }
0xaf: {  	[dreg:$0x3] =	wrdreg s24  }
0xb0: {  	[dreg:$0x4] =	wrdreg $0x9  }
0xb1: {  	_ =	task.clear_ibuf [dreg:s7], $0x5FFFF;
	_ =	strace $0x9000004F  }
0xb2: {  	s29 =	simm.s32 $0x9;
	_ =	strace $0x80000051  }
0xb3: {  	_ =	swait.ge [sflag:s29], $0x1  }
0xb4: {  	[sflag:s29] =	ssyncadd.s32 $0xFFFFFFFF  }
0xb5: {  	_ =	strace $0x90000051  }
0xb6: {  	_ =	sfence  }
0xb7: {  	s30 =	sld [smem:$0x0];
	_ =	sdelay $0x2  }
0xb8: {  	s31 =	sshll.u32 s1, $0xD;
	s1 =	sshrl.u32 s1, $0x2  }
0xb9: {  	s3 =	sand.u32 $0x4000, s31;
	s1 =	sadd.s32 s1, s30  }
0xba: {  	s0 =	sor.u32 s3, s0;
	s1 =	sshll.u32 s1, $0x11  }
0xbb: {  	s0 =	sor.u32 s1, s0  }
0xbc: {  	s0 =	sadd.s32 $0x8F2B, s0  }
0xbd: {  	[sflag:s0] =	ssyncadd.remote.s32 $0x1  }
0xbe: {  	_ =	sfence.sel $0xFFFF  }
0xbf: {  	[dreg:$0x0] =	wrdreg $0xFFFFFFFF;
	(pc) =	sbr.abs _section_cstart, $3  }
0xc0: {  	[dreg:$0x1] =	wrdreg $0xFFFFFFFF  }
0xc1: {  	_ =	task.clear_ibuf [dreg:s7], $0x2FFFF;
	_ =	strace $0x9FFFFFFF  }
0xc2: {  	(tm) =	ssettm $0x7FFFFFFF  }
0xc3: {  	_ =	shalt  }
tec
execute0_lowered:
.L_overlay_start_1:
0x0: {  	(tag) =	ssettag $0x1  }
0x1: {  	s2 =	rddreg [dreg:$0x0]  }
0x2: {  	s6 =	rddreg [dreg:$0x1]  }
0x3: {  	s0 =	srdreg.scid;
	s1 =	rddreg [dreg:$0x2]  }
0x4: {  	s3 =	simm.s32 $0x0;
	s9 =	simm.s32 $0x1;
	s4 =	sand.u32 $0x1, s0  }
0x5: {  	s10 =	simm.s32 $0x2780;
	s0 =	stileid.u32;
	s5 =	smul.u32 $0x27100, s4  }
0x6: {  	s11 =	simm.s32 $0x4F00;
	s12 =	simm.s32 $0x4F80;
	s7 =	smul.u32 $0x2710, s0  }
0x7: {  	s13 =	simm.s32 $0x5000;
	s14 =	simm.s32 $0x0;
	s4 =	ssub.s32 $0x2, s4  }
0x8: {  	[smem:$0x7FF] =	sst s3;
	s31 =	sshrl.u32 s4, $0x1;
	s5 =	sadd.s32 s7, s5  }
0x9: {  	_ =	strace $0x80000050;
	s7 =	ssub.s32 s4, s31;
	s5 =	sshrl.u32 s5, $0x3  }
0xa: {  	s4 =	sadd.s32 $0x17400, s6;
	s8 =	sadd.s32 s5, s6;
	s5 =	smax.u32 s7, $0x1  }
0xb: {  	s6 =	sadd.s32 $0x17A00, s8;
	s7 =	sadd.s32 $0x3800, s8;
	s8 =	sadd.s32 $0xD600, s8  }
.LBB2_1:
0xc: {  	[tilespmem:s3], [sflag:$0x1] =	stream.linear.gather [hbm4b:s2+s3], $0x2780, $0x38;
	[tilespmem:$0x5080] =	vst v63  }
0xd: {  	_ =	swait.ge [sflag:s9], $0x2780  }
0xe: {  	[sflag:s9] =	ssyncset.done $0x0  }
0xf: {  	[sflag:s9] =	ssyncadd.s32 $0xFFFFD880  }
0x10: {  	[tilespmem:s10], [sflag:$0x1] =	stream.linear.gather [hbm4b:s4+s3], $0x2780, $0x38;
	[tilespmem:$0x5080] =	vst v63  }
0x11: {  	_ =	swait.ge [sflag:s9], $0x2780  }
0x12: {  	[sflag:s9] =	ssyncset.done $0x0  }
0x13: {  	s15 =	sadd.s32 $0x0, s8;
	[sflag:s9] =	ssyncadd.s32 $0xFFFFD880  }
0x14: {  	[tilespmem:s11], [sflag:$0x1] =	stream.linear.gather [hbm4b:s15+s3], $0x50, $0x38;
	[tilespmem:$0x5080] =	vst v63  }
0x15: {  	_ =	swait.ge [sflag:s9], $0x50  }
0x16: {  	[sflag:s9] =	ssyncset.done $0x0  }
0x17: {  	s31 =	sadd.s32 $0x0, s7;
	[sflag:s9] =	ssyncadd.s32 $0xFFFFFFB0  }
0x18: {  	[tilespmem:s12], [sflag:$0x1] =	stream.linear.gather [hbm4b:s31+s3], $0x50, $0x38;
	[tilespmem:$0x5080] =	vst v63  }
0x19: {  	_ =	swait.ge [sflag:s9], $0x50  }
0x1a: {  	[sflag:s9] =	ssyncset.done $0x0  }
0x1b: {  	[sflag:s9] =	ssyncadd.s32 $0xFFFFFFB0  }
0x1c: {  	v0 =	vld [tilespmem:$0x4F00]  }
0x1d: {  	v1 =	vld [tilespmem:$0x4F80];
	_ =	sdelay $0x5  }
0x1e: {  	v2 =	vld [tilespmem:$0x4F10]  }
0x1f: {  	v0 =	vld.idx.msk [tilespmem:v0+s3+$0x0], $0xffff  }
0x20: {  	v1 =	vld.idx.msk [tilespmem:v1+s10+$0x0], $0xffff  }
0x21: {  	v3 =	vld [tilespmem:$0x4F90];
	_ =	sdelay $0x3  }
0x22: {  	v0 =	vadd.f32 v1, v0;
	_ =	sdelay $0x1  }
0x23: {  	[tilespmem:$0x5000] =	vst v0  }
0x24: {  	v0 =	vld.idx.msk [tilespmem:v2+s3+$0x0], $0xffff  }
0x25: {  	v1 =	vld.idx.msk [tilespmem:v3+s10+$0x0], $0xffff  }
0x26: {  	v2 =	vld [tilespmem:$0x4F20]  }
0x27: {  	v3 =	vld [tilespmem:$0x4FA0];
	_ =	sdelay $0x3  }
0x28: {  	v0 =	vadd.f32 v1, v0;
	_ =	sdelay $0x1  }
0x29: {  	[tilespmem:$0x5010] =	vst v0  }
0x2a: {  	v0 =	vld.idx.msk [tilespmem:v2+s3+$0x0], $0xffff  }
0x2b: {  	v1 =	vld.idx.msk [tilespmem:v3+s10+$0x0], $0xffff  }
0x2c: {  	v2 =	vld [tilespmem:$0x4F30]  }
0x2d: {  	v3 =	vld [tilespmem:$0x4FB0];
	_ =	sdelay $0x3  }
0x2e: {  	v0 =	vadd.f32 v1, v0;
	_ =	sdelay $0x1  }
0x2f: {  	[tilespmem:$0x5020] =	vst v0  }
0x30: {  	v0 =	vld.idx.msk [tilespmem:v2+s3+$0x0], $0xffff  }
0x31: {  	v1 =	vld.idx.msk [tilespmem:v3+s10+$0x0], $0xffff  }
0x32: {  	v2 =	vld [tilespmem:$0x4F40]  }
0x33: {  	v3 =	vld [tilespmem:$0x4FC0];
	_ =	sdelay $0x3  }
0x34: {  	v0 =	vadd.f32 v1, v0;
	_ =	sdelay $0x1  }
0x35: {  	[tilespmem:$0x5030] =	vst v0  }
0x36: {  	v0 =	vld.idx.msk [tilespmem:v2+s3+$0x0], $0xffff  }
0x37: {  	v1 =	vld.idx.msk [tilespmem:v3+s10+$0x0], $0xffff;
	_ =	sdelay $0x4  }
0x38: {  	s17 =	sadd.s32 $0x0, s6;
	s15 =	simm.s32 $0xA;
	v0 =	vadd.f32 v1, v0  }
.LBB2_2:
0x39: {  	p0 =	sne.s32 s15, $0x4D8;
	s16 =	smov.u32 s15;
	s15 =	sadd.s32 $0xA, s15  }
0x3a: {  	[tilespmem:$0x5040] =	vst v0  }
0x3b: {  	[hbm4b:s17+s3] =	stream.linear.scatter [tilespmem:s13], [sflag:$0x1], $0x50, $0x38;
	[tilespmem:$0x5080] =	vst v63  }
0x3c: {  	_ =	swait.ge [sflag:s9], $0x50  }
0x3d: {  	[sflag:s9] =	ssyncset.done $0x0  }
0x3e: {  	s17 =	sadd.s32 s16, s8;
	[sflag:s9] =	ssyncadd.s32 $0xFFFFFFB0  }
0x3f: {  	[tilespmem:s11], [sflag:$0x1] =	stream.linear.gather [hbm4b:s17+s3], $0x50, $0x38;
	[tilespmem:$0x5080] =	vst v63  }
0x40: {  	_ =	swait.ge [sflag:s9], $0x50  }
0x41: {  	[sflag:s9] =	ssyncset.done $0x0  }
0x42: {  	s17 =	sadd.s32 s16, s7;
	[sflag:s9] =	ssyncadd.s32 $0xFFFFFFB0  }
0x43: {  	[tilespmem:s12], [sflag:$0x1] =	stream.linear.gather [hbm4b:s17+s3], $0x50, $0x38;
	[tilespmem:$0x5080] =	vst v63  }
0x44: {  	_ =	swait.ge [sflag:s9], $0x50  }
0x45: {  	[sflag:s9] =	ssyncset.done $0x0  }
0x46: {  	[sflag:s9] =	ssyncadd.s32 $0xFFFFFFB0  }
0x47: {  	v0 =	vld [tilespmem:$0x4F00]  }
0x48: {  	v1 =	vld [tilespmem:$0x4F80];
	_ =	sdelay $0x5  }
0x49: {  	v2 =	vld [tilespmem:$0x4F90]  }
0x4a: {  	v0 =	vld.idx.msk [tilespmem:v0+s3+$0x0], $0xffff  }
0x4b: {  	v1 =	vld.idx.msk [tilespmem:v1+s10+$0x0], $0xffff  }
0x4c: {  	v3 =	vld [tilespmem:$0x4F10];
	_ =	sdelay $0x4  }
0x4d: {  	v0 =	vadd.f32 v1, v0;
	_ =	sdelay $0x1  }
0x4e: {  	[tilespmem:$0x5000] =	vst v0;
	v0 =	vld [tilespmem:$0x4FA0]  }
0x4f: {  	v1 =	vld.idx.msk [tilespmem:v3+s3+$0x0], $0xffff  }
0x50: {  	v2 =	vld.idx.msk [tilespmem:v2+s10+$0x0], $0xffff  }
0x51: {  	v3 =	vld [tilespmem:$0x4F20];
	_ =	sdelay $0x4  }
0x52: {  	v1 =	vadd.f32 v2, v1;
	_ =	sdelay $0x1  }
0x53: {  	[tilespmem:$0x5010] =	vst v1;
	v1 =	vld [tilespmem:$0x4FB0]  }
0x54: {  	v2 =	vld.idx.msk [tilespmem:v3+s3+$0x0], $0xffff  }
0x55: {  	v0 =	vld.idx.msk [tilespmem:v0+s10+$0x0], $0xffff  }
0x56: {  	v3 =	vld [tilespmem:$0x4F30];
	_ =	sdelay $0x4  }
0x57: {  	v0 =	vadd.f32 v0, v2;
	_ =	sdelay $0x1  }
0x58: {  	[tilespmem:$0x5020] =	vst v0;
	v0 =	vld [tilespmem:$0x4FC0]  }
0x59: {  	v2 =	vld.idx.msk [tilespmem:v3+s3+$0x0], $0xffff  }
0x5a: {  	v1 =	vld.idx.msk [tilespmem:v1+s10+$0x0], $0xffff  }
0x5b: {  	v3 =	vld [tilespmem:$0x4F40];
	_ =	sdelay $0x4  }
0x5c: {  	v1 =	vadd.f32 v1, v2;
	_ =	sdelay $0x1  }
0x5d: {  	[tilespmem:$0x5030] =	vst v1  }
0x5e: {  	v1 =	vld.idx.msk [tilespmem:v3+s3+$0x0], $0xffff  }
0x5f: {  	v0 =	vld.idx.msk [tilespmem:v0+s10+$0x0], $0xffff;
	_ =	sdelay $0x1  }
.Ltmp0:
0x60: {  	(pc) =	sbr.rel @p0 .LBB2_2-.Ltmp0, $2  }
0x61: {  	s17 =	sadd.s32 s16, s6;
	_ =	sdelay $0x2  }
0x62: {  	v0 =	vadd.f32 v0, v1  }
0x63: {  	s14 =	sadd.s32 $0x1, s14  }
0x64: {  	p0 =	sne.s32 s14, s5  }
.Ltmp1:
0x65: {  	[tilespmem:$0x5040] =	vst v0;
	(pc) =	sbr.rel @p0 .LBB2_1-.Ltmp1, $4  }
0x66: {  	[hbm4b:s17+s3] =	stream.linear.scatter [tilespmem:s13], [sflag:$0x1], $0x50, $0x38;
	[tilespmem:$0x5080] =	vst v63  }
0x67: {  	_ =	swait.ge [sflag:s9], $0x50  }
0x68: {  	[sflag:s9] =	ssyncset.done $0x0  }
0x69: {  	[sflag:s9] =	ssyncadd.s32 $0xFFFFFFB0  }
0x6a: {  	_ =	sfence.sel $0x180000  }
0x6b: {  	[bflag:$0x0] =	sbarrier.arrive $0xFFFF  }
0x6c: {  	p0 =	sne.s32 s0, $0x0;
	_ =	strace $0x90000050  }
0x6d: {  	s0 =	sadd.s32 @!p0 $0x100000, s1;
	[bflag:$0x2] =	sbarrier.arrive $0xFFFF  }
0x6e: {  	[sflag:s0] =	ssyncadd.tile.s32 @!p0 $0x1;
	_ =	shalt  }
.Lfunc_end2:
_tile_overlayer_lowered:
.L_overlay_start_2:
0x6f: {  	(tag) =	ssettag $0x2  }
0x70: {  	s0 =	rddreg [dreg:$0x0];
	s2 =	stileid.u32  }
0x71: {  	s1 =	rddreg [dreg:$0x1];
	p0 =	sne.s32 s2, $0x0  }
0x72: {  	s3 =	rddreg [dreg:$0x2];
	[bflag:$0x3] =	sbarrier.arrive $0xFFFF;
	s2 =	simm.s32 @!p0 $0x1C01  }
0x73: {  	[timem:s3], [sflag:s2] =	dma.local @!p0 [hbm:s0], s1  }
0x74: {  	s0 =	simm.s32 @!p0 $0x1  }
0x75: {  	_ =	swait.ge @!p0 [sflag:s0], s1  }
0x76: {  	s1 =	ssub.s32 @!p0 $0x0, s1;
	[sflag:s0] =	ssyncset.done @!p0 $0x0  }
0x77: {  	[sflag:s0] =	ssyncadd.s32 @!p0 s1  }
0x78: {  	[bflag:$0x3] =	sbarrier.arrive $0xFFFF  }
0x79: {  	_ =	shalt  }

// kernel: kernel.7.cloned.1.call-start
scs
__scs_entry_jumppad:
0x0: {  	(pc) =	sbr.rel $0x88, $3  }
0x1: {  	(tag) =	ssettag $0x0;
	lr =	simm.s32 $0x1  }
0x2: {  	[smem:$0x3F8C] =	sst lr;
	_ =	strace $0xD0000000  }
0x3: {  	_ = 	snop  }
0x4: {  	_ = 	snop  }
0x5: {  	_ = 	snop  }
0x6: {  	_ = 	snop  }
0x7: {  	_ = 	snop  }
__scs_overlays_trampoline_lowered:
0x8: {  	[smem:$0x3F9B] =	sst s0  }
0x9: {  	[smem:$0x3F9C] =	sst s1  }
0xa: {  	[smem:$0x3F9D] =	sst s2  }
0xb: {  	[smem:$0x3F9E] =	sst s3  }
0xc: {  	[smem:$0x3F9F] =	sst s4  }
0xd: {  	[smem:$0x3FA0] =	sst s5  }
0xe: {  	[smem:$0x3FA1] =	sst s6  }
0xf: {  	[smem:$0x3FA2] =	sst s7  }
0x10: {  	[smem:$0x3FA3] =	sst s8  }
0x11: {  	[smem:$0x3FA4] =	sst s9;
	s0 =	simm.s32 @!p0 $0x0  }
0x12: {  	s1 =	sld [smem:$0x3F8A];
	s0 =	simm.s32 @p0 $0x1  }
0x13: {  	[smem:$0x3FA5] =	sst s0;
	s0 =	simm.s32 @!p1 $0x0  }
0x14: {  	s2 =	sld [smem:$0x3F89];
	s0 =	simm.s32 @p1 $0x1  }
0x15: {  	[smem:$0x3FA6] =	sst s0;
	s0 =	simm.s32 @!p2 $0x0  }
0x16: {  	s3 =	sld [smem:$0x3FDB];
	s0 =	simm.s32 @p2 $0x1  }
0x17: {  	s4 =	simm.s32 $0x1BF5;
	[smem:$0x3FA8] =	sst s0  }
0x18: {  	s0 =	sld [smem:$0x3F8B];
	_ =	swait.ge [sflag:s4], $0x0  }
0x19: {  	s7 =	sld [smem:$0x3F8C]  }
0x1a: {  	s8 =	sadd.s32 $0xFFFFE003, lr  }
0x1b: {  	s9 =	sadd.s32 $0xFFFFFEF7, lr;
	s5 =	simm.s32 $0xFFFFFFFF;
	p2 =	slt.u32 s8, $0xFFFFF086  }
0x1c: {  	p1 =	slt.u32 s9, $0xF7A;
	s5 =	simm.s32 @!p2 $0x0  }
0x1d: {  	s5 =	simm.s32 @p1 $0x1;
	p0 =	seq.s32 s7, s2  }
0x1e: {  	s7 =	smul.u32 @!p0 $0xF7A, s2;
	p2 =	seq.s32 @!p0 s5, $0x0  }
0x1f: {  	s9 =	smul.u32 $0xF7A, s1;
	s8 =	simm.s32 @!p0 $0x1BF5;
	p2 =	por !p2, p0  }
0x20: {  	[sflag:s8] =	ssyncset.s32 @!p0 $0xFFFFF086;
	s6 =	sadd.s32 @!p0 s3, s7;
	s7 =	simm.s32 @!p0 $0x108  }
0x21: {  	s3 =	sadd.s32 s3, s9;
	s6 =	sadd.s32 @!p0 $0x88, s6;
	s7 =	simm.s32 @p2 $0x1082  }
0x22: {  	[simem:s7], [sflag:s8] =	dma.local @!p0 [hbm:s6], $0xF7A  }
0x23: {  	s9 =	sor.u32 $0xD0000000, s2;
	s6 =	simm.s32 $0x108;
	_ =	swait.ge @!p0 [sflag:s8], $0x0  }
0x24: {  	s3 =	sadd.s32 $0x88, s3;
	s6 =	simm.s32 @!p1 $0x1082;
	[sflag:s4] =	ssyncset.s32 $0xFFFFF086  }
0x25: {  	[simem:s6], [sflag:s4] =	dma.local [hbm:s3], $0xF7A  }
0x26: {  	[smem:$0x3F8C] =	sst s1;
	(tag) =	ssettag s2;
	_ =	strace s9  }
0x27: {  	s1 =	sld [smem:$0x3F9C]  }
0x28: {  	s2 =	sld [smem:$0x3F9D]  }
0x29: {  	s4 =	sld [smem:$0x3F9F]  }
0x2a: {  	p0 =	seq.s32 s5, $0x0;
	s5 =	sld [smem:$0x3FA0]  }
0x2b: {  	s6 =	sld [smem:$0x3FA1]  }
0x2c: {  	s7 =	sld [smem:$0x3FA2]  }
0x2d: {  	s3 =	simm.s32 $0x108;
	s8 =	sld [smem:$0x3FA3]  }
0x2e: {  	s3 =	simm.s32 @!p0 $0x1082;
	s9 =	sld [smem:$0x3FA4]  }
0x2f: {  	lr =	sadd.s32 s0, s3;
	s0 =	sld [smem:$0x3F9B]  }
0x30: {  	s3 =	sld [smem:$0x3F9E]  }
0x31: {  	[smem:$0x3FA7] =	sst s10  }
0x32: {  	s10 =	sld [smem:$0x3FA5];
	_ =	sdelay $0x3  }
0x33: {  	p0 =	seq.s32 s10, $0x1;
	s10 =	sld [smem:$0x3FA7];
	_ =	sdelay $0x3  }
0x34: {  	[smem:$0x3FA7] =	sst s10  }
0x35: {  	s10 =	sld [smem:$0x3FA6];
	_ =	sdelay $0x3  }
0x36: {  	p1 =	seq.s32 s10, $0x1;
	s10 =	sld [smem:$0x3FA7];
	_ =	sdelay $0x3  }
0x37: {  	[smem:$0x3FA7] =	sst s10  }
0x38: {  	s10 =	sld [smem:$0x3FA8]  }
0x39: {  	_ = 	snop;
	(pc) =	sbr.ind lr, $3  }
0x3a: {  	_ = 	snop  }
0x3b: {  	_ = 	snop  }
0x3c: {  	p2 =	seq.s32 s10, $0x1;
	s10 =	sld [smem:$0x3FA7]  }
0x3d: {  	_ =	shalt  }
0x3e: {  	_ =	shalt  }
0x3f: {  	_ =	shalt  }
0x40: {  	_ =	shalt  }
0x41: {  	_ =	shalt  }
0x42: {  	_ =	shalt  }
0x43: {  	_ =	shalt  }
0x44: {  	_ =	shalt  }
0x45: {  	_ =	shalt  }
0x46: {  	_ =	shalt  }
0x47: {  	_ =	shalt  }
0x48: {  	_ =	shalt  }
0x49: {  	_ =	shalt  }
0x4a: {  	_ =	shalt  }
0x4b: {  	_ =	shalt  }
0x4c: {  	_ =	shalt  }
0x4d: {  	_ =	shalt  }
0x4e: {  	_ =	shalt  }
0x4f: {  	_ =	shalt  }
0x50: {  	_ =	shalt  }
0x51: {  	_ =	shalt  }
0x52: {  	_ =	shalt  }
0x53: {  	_ =	shalt  }
0x54: {  	_ =	shalt  }
0x55: {  	_ =	shalt  }
0x56: {  	_ =	shalt  }
0x57: {  	_ =	shalt  }
0x58: {  	_ =	shalt  }
0x59: {  	_ =	shalt  }
0x5a: {  	_ =	shalt  }
0x5b: {  	_ =	shalt  }
0x5c: {  	_ =	shalt  }
0x5d: {  	_ =	shalt  }
0x5e: {  	_ =	shalt  }
0x5f: {  	_ =	shalt  }
0x60: {  	_ =	shalt  }
0x61: {  	_ =	shalt  }
0x62: {  	_ =	shalt  }
0x63: {  	_ =	shalt  }
0x64: {  	_ =	shalt  }
0x65: {  	_ =	shalt  }
0x66: {  	_ =	shalt  }
0x67: {  	_ =	shalt  }
0x68: {  	_ =	shalt  }
0x69: {  	_ =	shalt  }
0x6a: {  	_ =	shalt  }
0x6b: {  	_ =	shalt  }
0x6c: {  	_ =	shalt  }
0x6d: {  	_ =	shalt  }
0x6e: {  	_ =	shalt  }
0x6f: {  	_ =	shalt  }
0x70: {  	_ =	shalt  }
0x71: {  	_ =	shalt  }
0x72: {  	_ =	shalt  }
0x73: {  	_ =	shalt  }
0x74: {  	_ =	shalt  }
0x75: {  	_ =	shalt  }
0x76: {  	_ =	shalt  }
0x77: {  	_ =	shalt  }
0x78: {  	_ =	shalt  }
0x79: {  	_ =	shalt  }
0x7a: {  	_ =	shalt  }
0x7b: {  	_ =	shalt  }
0x7c: {  	_ =	shalt  }
0x7d: {  	_ =	shalt  }
0x7e: {  	_ =	shalt  }
0x7f: {  	_ =	shalt  }
0x80: {  	_ =	shalt  }
0x81: {  	_ =	shalt  }
0x82: {  	_ =	shalt  }
0x83: {  	_ =	shalt  }
0x84: {  	_ =	shalt  }
0x85: {  	_ =	shalt  }
0x86: {  	_ =	shalt  }
0x87: {  	_ =	shalt  }
.Lfunc_end0:
.L_simem_size_0:
called_computation_lowered:
.L_overlay_start_0:
0x88: {  	s2 =	sld [smem:$0x3FD9]  }
0x89: {  	s3 =	sld [smem:$0x3FFE];
	_ =	sdelay $0x1  }
0x8a: {  	s1 =	srdreg.scid  }
0x8b: {  	s0 =	sand.u32 $0x1, s1  }
0x8c: {  	s16 =	sshll.u32 s0, $0xA;
	s2 =	sadd.s32 s3, s2  }
0x8d: {  	s2 =	sadd.s32 s2, s16  }
0x8e: {  	[smem:$0x3FB3] =	sst s2  }
0x8f: {  	_ = 	snop  }
0x90: {  	(tm) =	ssettm $0x1  }
0x91: {  	s17 =	sld [smem:$0x3FFB];
	_ =	sdelay $0x3  }
0x92: {  	_ =	strace s17  }
0x93: {  	s2 =	sld [smem:$0x3FFC];
	_ =	sdelay $0x3  }
0x94: {  	_ =	strace s2  }
0x95: {  	s2 =	sld [smem:$0x3FFD];
	_ =	sdelay $0x3  }
0x96: {  	_ =	strace s2  }
0x97: {  	_ =	strace $0x8FFFFFFF  }
0x98: {  	s18 =	sld [smem:$0x3FDB];
	_ =	sdelay $0x1  }
0x99: {  	s19 =	simm.s32 $_scs_section_size  }
0x9a: {  	s4 =	simm.s32 $_size__tile_overlayer_lowered;
	s5 =	simm.s32 $_tile_overlayer_lowered  }
0x9b: {  	s22 =	simm.s32 $0x1BFF;
	s21 =	sshll.u32 s5, $0x1;
	s2 =	sadd.s32 s19, s18  }
0x9c: {  	s6 =	simm.s32 $0x0;
	s20 =	sshll.u32 s4, $0x1;
	s4 =	sadd.s32 s21, s2  }
0x9d: {  	[timem:s6], [sflag:s22] =	dma.local [hbm:s4], s20  }
0x9e: {  	_ =	swait.ge [sflag:s22], s20  }
0x9f: {  	s3 =	ssub.s32 $0x0, s20;
	[sflag:s22] =	ssyncset.done $0x0  }
0xa0: {  	[sflag:s22] =	ssyncadd.s32 s3;
	_ =	sdelay $0x1  }
0xa1: {  	s23 =	simm.s32 $0x1B8B  }
0xa2: {  	_ =	swait.ge [sflag:s23], $0x1  }
0xa3: {  	[sflag:s23] =	ssyncset.done $0x0  }
0xa4: {  	s25 =	simm.s32 $0x1B8E;
	s24 =	sld [smem:$0x3FFE];
	[sflag:s23] =	ssyncadd.s32 $0xFFFFFFFF  }
0xa5: {  	s26 =	simm.s32 $execute0_lowered;
	[smem:$0x3FD2] =	sst s25  }
0xa6: {  	s4 =	sshll.u32 s26, $0x1;
	_ =	strace $0x80000046;
	[dreg:$0x1] =	wrdreg $0xFFFFFFFF  }
0xa7: {  	s28 =	simm.s32 $_size_execute0_lowered;
	s2 =	sadd.s32 s2, s4;
	[dreg:$0x0] =	wrdreg $0x0  }
0xa8: {  	s4 =	sshll.u32 s28, $0x1;
	[dreg:$0x2] =	wrdreg s2  }
0xa9: {  	[dreg:$0x3] =	wrdreg s4  }
0xaa: {  	[dreg:$0x4] =	wrdreg $0xC0  }
0xab: {  	_ =	task [dreg:s6], $0x5FFFF  }
0xac: {  	[dreg:$0x1] =	wrdreg $0xFFFFFFFF  }
0xad: {  	[dreg:$0x0] =	wrdreg $0x60  }
0xae: {  	[dreg:$0x2] =	wrdreg s24  }
0xaf: {  	[dreg:$0x3] =	wrdreg $0x29000  }
0xb0: {  	[dreg:$0x4] =	wrdreg $0x9  }
0xb1: {  	_ =	task.clear_ibuf [dreg:s6], $0x5FFFF;
	_ =	strace $0x90000046  }
0xb2: {  	s29 =	simm.s32 $0x9;
	_ =	strace $0x80000048  }
0xb3: {  	_ =	swait.ge [sflag:s29], $0x1  }
0xb4: {  	[sflag:s29] =	ssyncadd.s32 $0xFFFFFFFF  }
0xb5: {  	_ =	strace $0x90000048  }
0xb6: {  	_ =	sfence  }
0xb7: {  	s30 =	sld [smem:$0x0];
	_ =	sdelay $0x2  }
0xb8: {  	s31 =	sshll.u32 s1, $0xD;
	s1 =	sshrl.u32 s1, $0x2  }
0xb9: {  	s3 =	sand.u32 $0x4000, s31;
	s1 =	sadd.s32 s1, s30  }
0xba: {  	s0 =	sor.u32 s3, s0;
	s1 =	sshll.u32 s1, $0x11  }
0xbb: {  	s0 =	sor.u32 s1, s0  }
0xbc: {  	s0 =	sadd.s32 $0x8F2B, s0  }
0xbd: {  	[sflag:s0] =	ssyncadd.remote.s32 $0x1  }
0xbe: {  	_ =	sfence.sel $0xFFFF  }
0xbf: {  	[dreg:$0x0] =	wrdreg $0xFFFFFFFF;
	(pc) =	sbr.abs _section_cstart, $3  }
0xc0: {  	[dreg:$0x1] =	wrdreg $0xFFFFFFFF  }
0xc1: {  	_ =	task.clear_ibuf [dreg:s6], $0x2FFFF;
	_ =	strace $0x9FFFFFFF  }
0xc2: {  	(tm) =	ssettm $0x7FFFFFFF  }
0xc3: {  	_ =	shalt  }
tec
execute0_lowered:
.L_overlay_start_1:
0x0: {  	(tag) =	ssettag $0x1  }
0x1: {  	s5 =	rddreg [dreg:$0x0]  }
0x2: {  	s2 =	rddreg [dreg:$0x1]  }
0x3: {  	s0 =	rddreg [dreg:$0x2]  }
0x4: {  	s3 =	simm.s32 $0x0;
	s4 =	srdreg.scid;
	s1 =	stileid.u32  }
0x5: {  	s13 =	simm.s32 $0x80;
	s14 =	simm.s32 $0x50;
	s15 =	simm.s32 $0x100  }
0x6: {  	s16 =	simm.s32 $0x1;
	s17 =	simm.s32 $0x0;
	[smem:$0x7FF] =	sst s3  }
0x7: {  	s6 =	sand.u32 $0x1, s4;
	s7 =	smul.u32 $0x2780, s1;
	s4 =	sadd.s32 $0x37400, s5  }
0x8: {  	s26 =	smul.u32 $0x4F000, s1;
	s30 =	sshll.u32 s1, $0x6;
	s31 =	sshll.u32 s1, $0xB  }
0x9: {  	_ =	strace $0x80000047;
	s8 =	sshll.u32 s6, $0xF;
	s9 =	smul.u32 $0x27800, s6  }
0xa: {  	s6 =	ssub.s32 $0x2, s6;
	s10 =	sadd.s32 s8, s5;
	s11 =	sadd.s32 s7, s5  }
0xb: {  	s28 =	sshrl.u32 s6, $0x1;
	s8 =	sshrl.u32 s26, $0x2;
	s7 =	sadd.s32 s7, s9  }
0xc: {  	s29 =	ssub.s32 s6, s28;
	s12 =	sadd.s32 s8, s2;
	s6 =	sor.u32 $0x1C02, s30  }
0xd: {  	s10 =	sadd.s32 s31, s10;
	s7 =	sadd.s32 s7, s5;
	s5 =	sadd.s32 $0x5EC00, s11  }
0xe: {  	s8 =	smax.u32 s29, $0x1;
	s9 =	sadd.s32 $0x27400, s10;
	s10 =	sadd.s32 $0x17400, s10  }
0xf: {  	s11 =	sshrl.u32 s12, $0x3;
	s12 =	simm.s32 $0x2;
	s7 =	sadd.s32 $0x86400, s7  }
.LBB2_1:
0x10: {  	[spmem:s11], [sflag:s6] =	dma.local [hbm:s5], $0x2780  }
0x11: {  	_ =	swait.ge [sflag:s12], $0x2780  }
0x12: {  	[sflag:s12] =	ssyncset.done $0x0  }
0x13: {  	[sflag:s12] =	ssyncadd.s32 $0xFFFFD880  }
0x14: {  	s18 =	sadd.s32 $0x0, s9;
	[bflag:$0x0] =	sbarrier.arrive $0xFFFF  }
0x15: {  	[tilespmem:s3], [sflag:$0x2] =	stream.linear.gather [hbm4b:s18+s3], $0x80, $0x38;
	[tilespmem:$0x16500] =	vst v63  }
0x16: {  	_ =	swait.ge [sflag:s12], $0x80  }
0x17: {  	[sflag:s12] =	ssyncset.done $0x0  }
0x18: {  	s31 =	sadd.s32 $0x0, s10;
	[sflag:s12] =	ssyncadd.s32 $0xFFFFFF80  }
0x19: {  	[tilespmem:s13], [sflag:$0x2] =	stream.linear.gather [hbm4b:s31+s3], $0x80, $0x38;
	[tilespmem:$0x16500] =	vst v63  }
0x1a: {  	_ =	swait.ge [sflag:s12], $0x80  }
0x1b: {  	[sflag:s12] =	ssyncset.done $0x0  }
0x1c: {  	[sflag:s12] =	ssyncadd.s32 $0xFFFFFF80  }
0x1d: {  	[tilespmem:s15], [sflag:$0x1] =	stream.indirect.gather [hbm4b:s4+s14], $0x80, s3, s14, $0xb8;
	[tilespmem:$0x16500] =	vst v63  }
0x1e: {  	_ =	swait.ge [sflag:s16], $0x2800  }
0x1f: {  	[sflag:s16] =	ssyncset.done $0x0  }
0x20: {  	[sflag:s16] =	ssyncadd.s32 $0xFFFFD800  }
0x21: {  	[spmem:s2] =	stream.indirect.scatter.add.f32 [tilespmem:s15], [sflag:$0x2], $0x80, s13, s14, $0xb8;
	[tilespmem:$0x16500] =	vst v63  }
0x22: {  	_ =	swait.ge [sflag:s12], $0x2800  }
0x23: {  	s19 =	simm.s32 $0x20;
	s18 =	simm.s32 $0x10;
	[sflag:s12] =	ssyncset.done $0x0  }
.LBB2_2:
0x24: {  	s20 =	sadd.s32 s18, s9  }
0x25: {  	[sflag:s12] =	ssyncadd.s32 $0xFFFFD800;
	s21 =	smov.u32 s19;
	s22 =	sadd.s32 $0x10, s19  }
0x26: {  	[tilespmem:s3], [sflag:$0x2] =	stream.linear.gather [hbm4b:s20+s3], $0x80, $0x38;
	[tilespmem:$0x16500] =	vst v63  }
0x27: {  	p0 =	sne.s32 s19, $0x7C0;
	_ =	swait.ge [sflag:s12], $0x80  }
0x28: {  	[sflag:s12] =	ssyncset.done $0x0  }
0x29: {  	s19 =	sadd.s32 s18, s10;
	s18 =	smov.u32 s21;
	[sflag:s12] =	ssyncadd.s32 $0xFFFFFF80  }
0x2a: {  	[tilespmem:s13], [sflag:$0x2] =	stream.linear.gather [hbm4b:s19+s3], $0x80, $0x38;
	[tilespmem:$0x16500] =	vst v63  }
0x2b: {  	_ =	swait.ge [sflag:s12], $0x80  }
0x2c: {  	[sflag:s12] =	ssyncset.done $0x0  }
0x2d: {  	[sflag:s12] =	ssyncadd.s32 $0xFFFFFF80  }
0x2e: {  	[tilespmem:s15], [sflag:$0x1] =	stream.indirect.gather [hbm4b:s4+s14], $0x80, s3, s14, $0xb8;
	[tilespmem:$0x16500] =	vst v63  }
0x2f: {  	_ =	swait.ge [sflag:s16], $0x2800  }
.Ltmp0:
0x30: {  	[sflag:s16] =	ssyncset.done $0x0;
	(pc) =	sbr.rel @p0 .LBB2_2-.Ltmp0, $4  }
0x31: {  	[sflag:s16] =	ssyncadd.s32 $0xFFFFD800  }
0x32: {  	[spmem:s2] =	stream.indirect.scatter.add.f32 [tilespmem:s15], [sflag:$0x2], $0x80, s13, s14, $0xb8;
	[tilespmem:$0x16500] =	vst v63  }
0x33: {  	_ =	swait.ge [sflag:s12], $0x2800  }
0x34: {  	s19 =	smov.u32 s22;
	[sflag:s12] =	ssyncset.done $0x0  }
0x35: {  	s19 =	sadd.s32 s18, s9;
	[sflag:s12] =	ssyncadd.s32 $0xFFFFD800  }
0x36: {  	[tilespmem:s3], [sflag:$0x2] =	stream.linear.gather [hbm4b:s19+s3], $0x80, $0x38;
	[tilespmem:$0x16500] =	vst v63  }
0x37: {  	_ =	swait.ge [sflag:s12], $0x80  }
0x38: {  	[sflag:s12] =	ssyncset.done $0x0  }
0x39: {  	s31 =	sadd.s32 s18, s10;
	[sflag:s12] =	ssyncadd.s32 $0xFFFFFF80  }
0x3a: {  	[tilespmem:s13], [sflag:$0x2] =	stream.linear.gather [hbm4b:s31+s3], $0x80, $0x38;
	[tilespmem:$0x16500] =	vst v63  }
0x3b: {  	_ =	swait.ge [sflag:s12], $0x80  }
0x3c: {  	[sflag:s12] =	ssyncset.done $0x0  }
0x3d: {  	[sflag:s12] =	ssyncadd.s32 $0xFFFFFF80  }
0x3e: {  	[tilespmem:s15], [sflag:$0x1] =	stream.indirect.gather [hbm4b:s4+s14], $0x80, s3, s14, $0xb8;
	[tilespmem:$0x16500] =	vst v63  }
0x3f: {  	_ =	swait.ge [sflag:s16], $0x2800  }
0x40: {  	[sflag:s16] =	ssyncset.done $0x0  }
0x41: {  	[sflag:s16] =	ssyncadd.s32 $0xFFFFD800  }
0x42: {  	[spmem:s2] =	stream.indirect.scatter.add.f32 [tilespmem:s15], [sflag:$0x2], $0x80, s13, s14, $0xb8;
	[tilespmem:$0x16500] =	vst v63  }
0x43: {  	_ =	swait.ge [sflag:s12], $0x2800  }
0x44: {  	s17 =	sadd.s32 $0x1, s17;
	[sflag:s12] =	ssyncset.done $0x0  }
0x45: {  	p0 =	sne.s32 s17, s8;
	[sflag:s12] =	ssyncadd.s32 $0xFFFFD800  }
.Ltmp1:
0x46: {  	[bflag:$0x0] =	sbarrier.arrive $0xFFFF;
	(pc) =	sbr.rel @p0 .LBB2_1-.Ltmp1, $4  }
0x47: {  	[hbm:s7], [sflag:s6] =	dma.local [spmem:s11], $0x2780  }
0x48: {  	_ =	swait.ge [sflag:s12], $0x2780  }
0x49: {  	[sflag:s12] =	ssyncset.done $0x0  }
0x4a: {  	[sflag:s12] =	ssyncadd.s32 $0xFFFFD880  }
0x4b: {  	_ =	sfence.sel $0x180000  }
0x4c: {  	[bflag:$0x0] =	sbarrier.arrive $0xFFFF  }
0x4d: {  	p0 =	sne.s32 s1, $0x0;
	_ =	strace $0x90000047  }
0x4e: {  	s0 =	sadd.s32 @!p0 $0x100000, s0;
	[bflag:$0x2] =	sbarrier.arrive $0xFFFF  }
0x4f: {  	[sflag:s0] =	ssyncadd.tile.s32 @!p0 $0x1;
	_ =	shalt  }
.Lfunc_end2:
_tile_overlayer_lowered:
.L_overlay_start_2:
0x50: {  	(tag) =	ssettag $0x2  }
0x51: {  	s0 =	rddreg [dreg:$0x0];
	s2 =	stileid.u32  }
0x52: {  	s1 =	rddreg [dreg:$0x1];
	p0 =	sne.s32 s2, $0x0  }
0x53: {  	s3 =	rddreg [dreg:$0x2];
	[bflag:$0x3] =	sbarrier.arrive $0xFFFF;
	s2 =	simm.s32 @!p0 $0x1C02  }
0x54: {  	[timem:s3], [sflag:s2] =	dma.local @!p0 [hbm:s0], s1  }
0x55: {  	s0 =	simm.s32 @!p0 $0x2  }
0x56: {  	_ =	swait.ge @!p0 [sflag:s0], s1  }
0x57: {  	s1 =	ssub.s32 @!p0 $0x0, s1;
	[sflag:s0] =	ssyncset.done @!p0 $0x0  }
0x58: {  	[sflag:s0] =	ssyncadd.s32 @!p0 s1  }
0x59: {  	[bflag:$0x3] =	sbarrier.arrive $0xFFFF  }
0x5a: {  	_ =	shalt  }

</sc_bundles>
